<compile_context>
chip_gen: v7x
topology: tpu7x:2x2x1
jax: 0.10.2.dev20260603
libtpu: 0.0.44.dev20260713+nightly
codegen_flags: <defaults>
</compile_context>

<pallas_src>
import functools

import jax
import jax.numpy as jnp
import numpy as np
from jax import lax
from jax.experimental import pallas as pl
from jax.experimental.pallas import tpu as pltpu
from jax.experimental.pallas import tpu_sc as plsc

N = 1600000
B = 4096
F_S = 10
F_T = 5
W_S = 16
W_T = 16

NC = 2
NS = 16
NW = NC * NS

GROUP = 128
GPT = 392
CHUNK_G = 4
CHUNK = GROUP * CHUNK_G
NCHUNK = GPT // CHUNK_G
NGROUPS = N // GROUP
SLICE = B // NS

R = 12800


def _repack_body(xs, xt, o1, o2):
    one = jnp.ones((R // 8, 1), jnp.float32)
    for k in range(8):
        xsk = xs[pl.ds(k * (R // 8), R // 8), :]
        o1[:, pl.ds(k * W_S, F_S + 1)] = jnp.concatenate([xsk, one], axis=1)
        xtk = xt[pl.ds(k * (R // 8), R // 8), :]
        o2[:, pl.ds(k * W_T, F_T + 1)] = jnp.concatenate([xtk, one], axis=1)


def _repack(x_s, x_t):
    grid = N // R
    return pl.pallas_call(
        _repack_body,
        grid=(grid,),
        in_specs=[pl.BlockSpec((R, F_S), lambda i: (i, 0)),
                  pl.BlockSpec((R, F_T), lambda i: (i, 0))],
        out_specs=[pl.BlockSpec((R // 8, 128), lambda i: (i, 0)),
                   pl.BlockSpec((R // 8, 128), lambda i: (i, 0))],
        out_shape=[jax.ShapeDtypeStruct((N // 8, 128), jnp.float32),
                   jax.ShapeDtypeStruct((N // 8, 128), jnp.float32)],
    )(x_s, x_t)


def _sc_segment_sums(xsw, xtw, ids_s2d, ids_t2d, z16):
    mesh = plsc.VectorSubcoreMesh(core_axis_name="c", subcore_axis_name="s")

    @functools.partial(
        pl.kernel,
        out_type=[
            jax.ShapeDtypeStruct((NC, B, W_S), jnp.float32),
            jax.ShapeDtypeStruct((NC, B, W_T), jnp.float32),
        ],
        mesh=mesh,
        compiler_params=pltpu.CompilerParams(use_tc_tiling_on_sc=False,
                                             needs_layout_passes=False),
        scratch_types=[
            pltpu.VMEM((CHUNK // 8, 128), jnp.float32),
            pltpu.VMEM((CHUNK // 8, 128), jnp.float32),
            pltpu.VMEM((CHUNK, W_S), jnp.float32),
            pltpu.VMEM((CHUNK, W_T), jnp.float32),
            pltpu.VMEM((CHUNK_G, GROUP), jnp.int32),
            pltpu.VMEM((CHUNK_G, GROUP), jnp.int32),
            pltpu.VMEM_SHARED((B, W_S), jnp.float32),
            pltpu.VMEM_SHARED((B, W_T), jnp.float32),
        ],
    )
    def seg_kernel(xsw_hbm, xtw_hbm, ids_s_hbm, ids_t_hbm, z16_hbm,
                   ps_hbm, pt_hbm,
                   ws128, wt128, ws_buf, wt_buf, ibs, ibt, acc_s, acc_t):
        core = lax.axis_index("c")
        sid = lax.axis_index("s")
        wid = sid * NC + core
        rz = sid * SLICE

        pltpu.sync_copy(z16_hbm.at[pl.ds(rz, SLICE)], acc_s.at[pl.ds(rz, SLICE)])
        pltpu.sync_copy(z16_hbm.at[pl.ds(rz, SLICE)], acc_t.at[pl.ds(rz, SLICE)])
        plsc.subcore_barrier()

        def chunk_body(c, carry):
            g0 = wid * GPT + c * CHUNK_G

            @pl.when(g0 + CHUNK_G <= NGROUPS)
            def _():
                pltpu.sync_copy(
                    xsw_hbm.at[pl.ds(g0 * (GROUP // 8), CHUNK // 8)], ws128)
                pltpu.sync_copy(
                    xtw_hbm.at[pl.ds(g0 * (GROUP // 8), CHUNK // 8)], wt128)
                pltpu.sync_copy(ids_s_hbm.at[pl.ds(g0, CHUNK_G)], ibs)
                pltpu.sync_copy(ids_t_hbm.at[pl.ds(g0, CHUNK_G)], ibt)

                def reslice(i, carry2):
                    for k in range(8):
                        ws_buf[i * 8 + k, :] = ws128[i, pl.ds(k * 16, 16)]
                        wt_buf[i * 8 + k, :] = wt128[i, pl.ds(k * 16, 16)]
                    return carry2

                lax.fori_loop(0, CHUNK // 8, reslice, 0)

                for j in range(CHUNK_G):
                    pltpu.sync_copy(ws_buf.at[pl.ds(j * GROUP, GROUP)],
                                    acc_s.at[ibs.at[j]], add=True)
                    pltpu.sync_copy(wt_buf.at[pl.ds(j * GROUP, GROUP)],
                                    acc_t.at[ibt.at[j]], add=True)

            return carry

        lax.fori_loop(0, NCHUNK, chunk_body, 0)
        plsc.subcore_barrier()

        pltpu.sync_copy(acc_s.at[pl.ds(rz, SLICE)], ps_hbm.at[core, pl.ds(rz, SLICE)])
        pltpu.sync_copy(acc_t.at[pl.ds(rz, SLICE)], pt_hbm.at[core, pl.ds(rz, SLICE)])

    return seg_kernel(xsw, xtw, ids_s2d, ids_t2d, z16)


def _mlp_body(ps, pt, u, w1a, w1b, w1c, b1, w2, b2, out):
    acc_s = ps[0] + ps[1]
    acc_t = pt[0] + pt[1]
    mean_s = acc_s[:, :F_S] / jnp.maximum(acc_s[:, F_S:F_S + 1], 1.0)
    mean_t = acc_t[:, :F_T] / jnp.maximum(acc_t[:, F_T:F_T + 1], 1.0)
    h = (jnp.dot(u[...], w1a[...], preferred_element_type=jnp.float32)
         + jnp.dot(mean_s, w1b[...], preferred_element_type=jnp.float32)
         + jnp.dot(mean_t, w1c[...], preferred_element_type=jnp.float32)
         + b1[...])
    h = jnp.where(h >= 0, h, 0.1 * h)
    out[...] = jnp.dot(h, w2[...], preferred_element_type=jnp.float32) + b2[...]


def kernel(x_s, x_t, edge_index, edge_attr, u, batch_s, batch_t, W1, b1, W2, b2):
    del edge_index, edge_attr

    def _perm(ids):
        return (ids.astype(jnp.int32)
                .reshape(N // R, 8, R // 8)
                .transpose(0, 2, 1)
                .reshape(NGROUPS, GROUP))

    ids_s2d = _perm(batch_s)
    ids_t2d = _perm(batch_t)
    z16 = jnp.zeros((B, W_S), jnp.float32)

    xsw, xtw = _repack(x_s, x_t)
    ps, pt = _sc_segment_sums(xsw, xtw, ids_s2d, ids_t2d, z16)

    out = pl.pallas_call(
        _mlp_body,
        out_shape=jax.ShapeDtypeStruct((B, F_S), jnp.float32),
    )(ps, pt, u,
      W1[:F_S], W1[F_S:F_S + F_S], W1[F_S + F_S:], b1.reshape(1, F_S),
      W2, b2.reshape(1, F_S))
    return out

# --- scband reference (transcript-rebuilt; emitter-appended) ---
"""Pipeline reference for scband-global-model-11227044512396 (READ-ONLY COPY).

The authoritative reference and input builder live on the scoring server;
editing this copy changes nothing except your own understanding.
"""

import jax, jax.numpy as jnp
import numpy as np

F_u = 10
F_xs = 10
F_xt = 5
B = 4096
N = 1600000

def setup_inputs(seed: int = 0) -> dict:
    key = jax.random.key(seed)
    ks = jax.random.split(key, 12)
    x_s = jax.random.normal(ks[0], (N, F_xs), dtype=jnp.float32)
    x_t = jax.random.normal(ks[1], (N, F_xt), dtype=jnp.float32)
    edge_index = jax.random.randint(ks[2], (2, N), 0, N, dtype=jnp.int64) if jax.config.jax_enable_x64 else jax.random.randint(ks[2], (2, N), 0, N).astype(jnp.int32)
    edge_attr = jax.random.normal(ks[3], (N, 4), dtype=jnp.float32)
    u = jax.random.normal(ks[4], (B, F_u), dtype=jnp.float32)
    batch_s = jnp.sort(jax.random.randint(ks[5], (N,), 0, B))
    batch_t = jnp.sort(jax.random.randint(ks[6], (N,), 0, B))
    # global_mlp params: Lin(F_u+F_xs+F_xt -> F_u), LeakyReLU(0.1), Lin(F_u -> F_u)
    d_in = F_u + F_xs + F_xt
    W1 = jax.random.normal(ks[7], (d_in, F_u), dtype=jnp.float32) * (1.0 / np.sqrt(d_in))
    b1 = jax.random.normal(ks[8], (F_u,), dtype=jnp.float32) * 0.01
    W2 = jax.random.normal(ks[9], (F_u, F_u), dtype=jnp.float32) * (1.0 / np.sqrt(F_u))
    b2 = jax.random.normal(ks[10], (F_u,), dtype=jnp.float32) * 0.01
    return {"x_s": x_s, "x_t": x_t, "edge_index": edge_index, "edge_attr": edge_attr, "u": u, "batch_s": batch_s, "batch_t": batch_t, "W1": W1, "b1": b1, "W2": W2, "b2": b2}

def _scatter_mean(x, idx, num_segments):
    s = jax.ops.segment_sum(x, idx, num_segments=num_segments)
    cnt = jax.ops.segment_sum(jnp.ones((x.shape[0],), x.dtype), idx, num_segments=num_segments)
    return s / jnp.clip(cnt, 1.0, None)[:, None]

def reference(x_s, x_t, edge_index, edge_attr, u, batch_s, batch_t, W1, b1, W2, b2):
    nb = u.shape[0]
    out = jnp.concatenate([u, _scatter_mean(x_s, batch_s, nb), _scatter_mean(x_t, batch_t, nb)], axis=1)
    h = out @ W1 + b1
    h = jnp.where(h >= 0, h, 0.1 * h)  # LeakyReLU(0.1)
    return h @ W2 + b2

if __name__ == "__main__":
    import jax
    _d = setup_inputs()
    print(jax.jit(kernel)(*tuple(_d.values())))

</pallas_src>

<mosaic_0001>
#map = affine_map<(d0, d1) -> (0, 0)>
#map1 = affine_map<(d0, d1) -> (0, 0, 0)>
module attributes {stable_mosaic.version = 14 : i64} {
  func.func @seg_kernel(%arg0: i32, %arg1: i32, %arg2: memref<200000x128xf32, #tpu.memory_space<hbm>>, %arg3: memref<200000x128xf32, #tpu.memory_space<hbm>>, %arg4: memref<12500x128xi32, #tpu.memory_space<hbm>>, %arg5: memref<12500x128xi32, #tpu.memory_space<hbm>>, %arg6: memref<4096x16xf32, #tpu.memory_space<hbm>>, %arg7: memref<2x4096x16xf32, #tpu.memory_space<hbm>>, %arg8: memref<2x4096x16xf32, #tpu.memory_space<hbm>>, %arg9: memref<64x128xf32, #tpu.memory_space<vmem>>, %arg10: memref<64x128xf32, #tpu.memory_space<vmem>>, %arg11: memref<512x16xf32, #tpu.memory_space<vmem>>, %arg12: memref<512x16xf32, #tpu.memory_space<vmem>>, %arg13: memref<4x128xi32, #tpu.memory_space<vmem>>, %arg14: memref<4x128xi32, #tpu.memory_space<vmem>>, %arg15: memref<4096x16xf32, #tpu.memory_space<vmem_shared>>, %arg16: memref<4096x16xf32, #tpu.memory_space<vmem_shared>>) attributes {dimension_semantics = [#tpu.dimension_semantics<core_parallel>, #tpu.dimension_semantics<subcore_parallel>], iteration_bounds = array<i64: 2, 16>, scalar_prefetch = 0 : i64, scratch_operands = 8 : i64, tpu.core_type = #tpu.core_type<sc_vector_subcore>, window_params = [{transform_indices = #map}, {transform_indices = #map}, {transform_indices = #map}, {transform_indices = #map}, {transform_indices = #map}, {transform_indices = #map1}, {transform_indices = #map1}]} {
    %mul3A = arith.constant 2 : i32
    %mul3A_0 = arith.muli %arg1, %mul3A : i32
    %add3A = arith.addi %mul3A_0, %arg0 : i32
    %mul3A_1 = arith.constant 256 : i32
    %mul3A_2 = arith.muli %arg1, %mul3A_1 : i32
    "tpu.region"() ({
      %run_scoped3A = tpu.sem_alloc : memref<!tpu.dma_semaphore, #tpu.memory_space<semaphore_mem>>
      %dma_start3A = arith.constant 0 : i32
      %dma_start3A_9 = tpu.memref_slice %arg15[%mul3A_2, %dma_start3A] : memref<4096x16xf32, #tpu.memory_space<vmem_shared>> -> memref<256x16xf32, #tpu.memory_space<vmem_shared>>
      %dma_start3A_10 = arith.constant 0 : i32
      %dma_start3A_11 = tpu.memref_slice %arg6[%mul3A_2, %dma_start3A_10] : memref<4096x16xf32, #tpu.memory_space<hbm>> -> memref<256x16xf32, #tpu.memory_space<hbm>>
      tpu.enqueue_dma source(%dma_start3A_11 : memref<256x16xf32, #tpu.memory_space<hbm>>) target(%dma_start3A_9 : memref<256x16xf32, #tpu.memory_space<vmem_shared>>) target_semaphore(%run_scoped3A : memref<!tpu.dma_semaphore, #tpu.memory_space<semaphore_mem>>)
      %dma_wait3A = arith.constant 0 : i32
      %dma_wait3A_12 = tpu.memref_slice %arg15[%mul3A_2, %dma_wait3A] : memref<4096x16xf32, #tpu.memory_space<vmem_shared>> -> memref<256x16xf32, #tpu.memory_space<vmem_shared>>
      %dma_wait3A_13 = arith.constant 0 : i32
      %dma_wait3A_14 = tpu.memref_slice %arg6[%mul3A_2, %dma_wait3A_13] : memref<4096x16xf32, #tpu.memory_space<hbm>> -> memref<256x16xf32, #tpu.memory_space<hbm>>
      tpu.wait_dma2 semaphore(%run_scoped3A : memref<!tpu.dma_semaphore, #tpu.memory_space<semaphore_mem>>) src(%dma_wait3A_14 : memref<256x16xf32, #tpu.memory_space<hbm>>) dst(%dma_wait3A_12 : memref<256x16xf32, #tpu.memory_space<vmem_shared>>)
      tpu.yield
    }) : () -> ()
    "tpu.region"() ({
      %run_scoped3A = tpu.sem_alloc : memref<!tpu.dma_semaphore, #tpu.memory_space<semaphore_mem>>
      %dma_start3A = arith.constant 0 : i32
      %dma_start3A_9 = tpu.memref_slice %arg16[%mul3A_2, %dma_start3A] : memref<4096x16xf32, #tpu.memory_space<vmem_shared>> -> memref<256x16xf32, #tpu.memory_space<vmem_shared>>
      %dma_start3A_10 = arith.constant 0 : i32
      %dma_start3A_11 = tpu.memref_slice %arg6[%mul3A_2, %dma_start3A_10] : memref<4096x16xf32, #tpu.memory_space<hbm>> -> memref<256x16xf32, #tpu.memory_space<hbm>>
      tpu.enqueue_dma source(%dma_start3A_11 : memref<256x16xf32, #tpu.memory_space<hbm>>) target(%dma_start3A_9 : memref<256x16xf32, #tpu.memory_space<vmem_shared>>) target_semaphore(%run_scoped3A : memref<!tpu.dma_semaphore, #tpu.memory_space<semaphore_mem>>)
      %dma_wait3A = arith.constant 0 : i32
      %dma_wait3A_12 = tpu.memref_slice %arg16[%mul3A_2, %dma_wait3A] : memref<4096x16xf32, #tpu.memory_space<vmem_shared>> -> memref<256x16xf32, #tpu.memory_space<vmem_shared>>
      %dma_wait3A_13 = arith.constant 0 : i32
      %dma_wait3A_14 = tpu.memref_slice %arg6[%mul3A_2, %dma_wait3A_13] : memref<4096x16xf32, #tpu.memory_space<hbm>> -> memref<256x16xf32, #tpu.memory_space<hbm>>
      tpu.wait_dma2 semaphore(%run_scoped3A : memref<!tpu.dma_semaphore, #tpu.memory_space<semaphore_mem>>) src(%dma_wait3A_14 : memref<256x16xf32, #tpu.memory_space<hbm>>) dst(%dma_wait3A_12 : memref<256x16xf32, #tpu.memory_space<vmem_shared>>)
      tpu.yield
    }) : () -> ()
    %barrier3A = arith.constant 0 : index
    tpu.barrier barrier_id(%barrier3A)
    %scan3A = arith.constant 0 : i32
    %scan3A_3 = arith.constant 0 : i32
    %scan3A_4 = arith.constant 98 : i32
    %scan3A_5 = arith.addi %scan3A_3, %scan3A_4 : i32
    %scan3A_6 = arith.constant 1 : i32
    scf.for %scan3A_9 = %scan3A_3 to %scan3A_5 step %scan3A_6  : i32 {
      %mul3A_10 = arith.constant 392 : i32
      %mul3A_11 = arith.muli %add3A, %mul3A_10 : i32
      %mul3A_12 = arith.constant 4 : i32
      %mul3A_13 = arith.muli %scan3A_9, %mul3A_12 : i32
      %add3A_14 = arith.addi %mul3A_11, %mul3A_13 : i32
      %add3A_15 = arith.constant 4 : i32
      %add3A_16 = arith.addi %add3A_14, %add3A_15 : i32
      %le3A = arith.constant 12500 : i32
      %le3A_17 = arith.cmpi sle, %add3A_16, %le3A : i32
      %convert_element_type3A = arith.extui %le3A_17 : i1 to i32
      %cond3A = arith.constant 0 : i32
      %cond3A_18 = arith.cmpi ne, %convert_element_type3A, %cond3A : i32
      scf.if %cond3A_18 {
        %mul3A_19 = arith.constant 16 : i32
        %mul3A_20 = arith.muli %add3A_14, %mul3A_19 : i32
        "tpu.region"() ({
          %run_scoped3A_36 = tpu.sem_alloc : memref<!tpu.dma_semaphore, #tpu.memory_space<semaphore_mem>>
          %dma_start3A = arith.constant 0 : i32
          %dma_start3A_37 = tpu.memref_slice %arg2[%mul3A_20, %dma_start3A] : memref<200000x128xf32, #tpu.memory_space<hbm>> -> memref<64x128xf32, #tpu.memory_space<hbm>>
          %dma_start3A_38 = arith.constant 0 : i32
          %dma_start3A_39 = tpu.memref_slice %arg2[%mul3A_20, %dma_start3A_38] : memref<200000x128xf32, #tpu.memory_space<hbm>> -> memref<64x128xf32, #tpu.memory_space<hbm>>
          tpu.enqueue_dma source(%dma_start3A_39 : memref<64x128xf32, #tpu.memory_space<hbm>>) target(%arg9 : memref<64x128xf32, #tpu.memory_space<vmem>>) target_semaphore(%run_scoped3A_36 : memref<!tpu.dma_semaphore, #tpu.memory_space<semaphore_mem>>)
          %dma_wait3A = arith.constant 0 : i32
          %dma_wait3A_40 = tpu.memref_slice %arg2[%mul3A_20, %dma_wait3A] : memref<200000x128xf32, #tpu.memory_space<hbm>> -> memref<64x128xf32, #tpu.memory_space<hbm>>
          %dma_wait3A_41 = arith.constant 0 : i32
          %dma_wait3A_42 = tpu.memref_slice %arg2[%mul3A_20, %dma_wait3A_41] : memref<200000x128xf32, #tpu.memory_space<hbm>> -> memref<64x128xf32, #tpu.memory_space<hbm>>
          tpu.wait_dma2 semaphore(%run_scoped3A_36 : memref<!tpu.dma_semaphore, #tpu.memory_space<semaphore_mem>>) src(%dma_wait3A_42 : memref<64x128xf32, #tpu.memory_space<hbm>>) dst(%arg9 : memref<64x128xf32, #tpu.memory_space<vmem>>)
          tpu.yield
        }) : () -> ()
        %mul3A_21 = arith.constant 16 : i32
        %mul3A_22 = arith.muli %add3A_14, %mul3A_21 : i32
        "tpu.region"() ({
          %run_scoped3A_36 = tpu.sem_alloc : memref<!tpu.dma_semaphore, #tpu.memory_space<semaphore_mem>>
          %dma_start3A = arith.constant 0 : i32
          %dma_start3A_37 = tpu.memref_slice %arg3[%mul3A_22, %dma_start3A] : memref<200000x128xf32, #tpu.memory_space<hbm>> -> memref<64x128xf32, #tpu.memory_space<hbm>>
          %dma_start3A_38 = arith.constant 0 : i32
          %dma_start3A_39 = tpu.memref_slice %arg3[%mul3A_22, %dma_start3A_38] : memref<200000x128xf32, #tpu.memory_space<hbm>> -> memref<64x128xf32, #tpu.memory_space<hbm>>
          tpu.enqueue_dma source(%dma_start3A_39 : memref<64x128xf32, #tpu.memory_space<hbm>>) target(%arg10 : memref<64x128xf32, #tpu.memory_space<vmem>>) target_semaphore(%run_scoped3A_36 : memref<!tpu.dma_semaphore, #tpu.memory_space<semaphore_mem>>)
          %dma_wait3A = arith.constant 0 : i32
          %dma_wait3A_40 = tpu.memref_slice %arg3[%mul3A_22, %dma_wait3A] : memref<200000x128xf32, #tpu.memory_space<hbm>> -> memref<64x128xf32, #tpu.memory_space<hbm>>
          %dma_wait3A_41 = arith.constant 0 : i32
          %dma_wait3A_42 = tpu.memref_slice %arg3[%mul3A_22, %dma_wait3A_41] : memref<200000x128xf32, #tpu.memory_space<hbm>> -> memref<64x128xf32, #tpu.memory_space<hbm>>
          tpu.wait_dma2 semaphore(%run_scoped3A_36 : memref<!tpu.dma_semaphore, #tpu.memory_space<semaphore_mem>>) src(%dma_wait3A_42 : memref<64x128xf32, #tpu.memory_space<hbm>>) dst(%arg10 : memref<64x128xf32, #tpu.memory_space<vmem>>)
          tpu.yield
        }) : () -> ()
        "tpu.region"() ({
          %run_scoped3A_36 = tpu.sem_alloc : memref<!tpu.dma_semaphore, #tpu.memory_space<semaphore_mem>>
          %dma_start3A = arith.constant 0 : i32
          %dma_start3A_37 = tpu.memref_slice %arg4[%add3A_14, %dma_start3A] : memref<12500x128xi32, #tpu.memory_space<hbm>> -> memref<4x128xi32, #tpu.memory_space<hbm>>
          %dma_start3A_38 = arith.constant 0 : i32
          %dma_start3A_39 = tpu.memref_slice %arg4[%add3A_14, %dma_start3A_38] : memref<12500x128xi32, #tpu.memory_space<hbm>> -> memref<4x128xi32, #tpu.memory_space<hbm>>
          tpu.enqueue_dma source(%dma_start3A_39 : memref<4x128xi32, #tpu.memory_space<hbm>>) target(%arg13 : memref<4x128xi32, #tpu.memory_space<vmem>>) target_semaphore(%run_scoped3A_36 : memref<!tpu.dma_semaphore, #tpu.memory_space<semaphore_mem>>)
          %dma_wait3A = arith.constant 0 : i32
          %dma_wait3A_40 = tpu.memref_slice %arg4[%add3A_14, %dma_wait3A] : memref<12500x128xi32, #tpu.memory_space<hbm>> -> memref<4x128xi32, #tpu.memory_space<hbm>>
          %dma_wait3A_41 = arith.constant 0 : i32
          %dma_wait3A_42 = tpu.memref_slice %arg4[%add3A_14, %dma_wait3A_41] : memref<12500x128xi32, #tpu.memory_space<hbm>> -> memref<4x128xi32, #tpu.memory_space<hbm>>
          tpu.wait_dma2 semaphore(%run_scoped3A_36 : memref<!tpu.dma_semaphore, #tpu.memory_space<semaphore_mem>>) src(%dma_wait3A_42 : memref<4x128xi32, #tpu.memory_space<hbm>>) dst(%arg13 : memref<4x128xi32, #tpu.memory_space<vmem>>)
          tpu.yield
        }) : () -> ()
        "tpu.region"() ({
          %run_scoped3A_36 = tpu.sem_alloc : memref<!tpu.dma_semaphore, #tpu.memory_space<semaphore_mem>>
          %dma_start3A = arith.constant 0 : i32
          %dma_start3A_37 = tpu.memref_slice %arg5[%add3A_14, %dma_start3A] : memref<12500x128xi32, #tpu.memory_space<hbm>> -> memref<4x128xi32, #tpu.memory_space<hbm>>
          %dma_start3A_38 = arith.constant 0 : i32
          %dma_start3A_39 = tpu.memref_slice %arg5[%add3A_14, %dma_start3A_38] : memref<12500x128xi32, #tpu.memory_space<hbm>> -> memref<4x128xi32, #tpu.memory_space<hbm>>
          tpu.enqueue_dma source(%dma_start3A_39 : memref<4x128xi32, #tpu.memory_space<hbm>>) target(%arg14 : memref<4x128xi32, #tpu.memory_space<vmem>>) target_semaphore(%run_scoped3A_36 : memref<!tpu.dma_semaphore, #tpu.memory_space<semaphore_mem>>)
          %dma_wait3A = arith.constant 0 : i32
          %dma_wait3A_40 = tpu.memref_slice %arg5[%add3A_14, %dma_wait3A] : memref<12500x128xi32, #tpu.memory_space<hbm>> -> memref<4x128xi32, #tpu.memory_space<hbm>>
          %dma_wait3A_41 = arith.constant 0 : i32
          %dma_wait3A_42 = tpu.memref_slice %arg5[%add3A_14, %dma_wait3A_41] : memref<12500x128xi32, #tpu.memory_space<hbm>> -> memref<4x128xi32, #tpu.memory_space<hbm>>
          tpu.wait_dma2 semaphore(%run_scoped3A_36 : memref<!tpu.dma_semaphore, #tpu.memory_space<semaphore_mem>>) src(%dma_wait3A_42 : memref<4x128xi32, #tpu.memory_space<hbm>>) dst(%arg14 : memref<4x128xi32, #tpu.memory_space<vmem>>)
          tpu.yield
        }) : () -> ()
        %scan3A_23 = arith.constant 0 : i32
        %scan3A_24 = arith.constant 0 : i32
        %scan3A_25 = arith.constant 64 : i32
        %scan3A_26 = arith.addi %scan3A_24, %scan3A_25 : i32
        %scan3A_27 = arith.constant 1 : i32
        scf.for %scan3A_36 = %scan3A_24 to %scan3A_26 step %scan3A_27  : i32 {
          %get3A = arith.index_cast %scan3A_36 : i32 to index
          %get3A_37 = arith.constant 0 : index
          %get3A_38 = tpu.vector_load %arg9[%get3A, %get3A_37] {strides = array<i32>} : memref<64x128xf32, #tpu.memory_space<vmem>>, vector<16xf32>,
          %mul3A_39 = arith.constant 8 : i32
          %mul3A_40 = arith.muli %scan3A_36, %mul3A_39 : i32
          %add3A_41 = arith.constant 0 : i32
          %add3A_42 = arith.addi %mul3A_40, %add3A_41 : i32
          %swap3A = arith.index_cast %add3A_42 : i32 to index
          %swap3A_43 = arith.constant 0 : index
          %swap3A_44 = tpu.vector_load %arg11[%swap3A, %swap3A_43] {strides = array<i32>} : memref<512x16xf32, #tpu.memory_space<vmem>>, vector<16xf32>,
          tpu.vector_store %arg11[%swap3A, %swap3A_43], %get3A_38 {strides = array<i32>} : memref<512x16xf32, #tpu.memory_space<vmem>>, vector<16xf32>,
          %get3A_45 = arith.index_cast %scan3A_36 : i32 to index
          %get3A_46 = arith.constant 0 : index
          %get3A_47 = tpu.vector_load %arg10[%get3A_45, %get3A_46] {strides = array<i32>} : memref<64x128xf32, #tpu.memory_space<vmem>>, vector<16xf32>,
          %mul3A_48 = arith.constant 8 : i32
          %mul3A_49 = arith.muli %scan3A_36, %mul3A_48 : i32
          %add3A_50 = arith.constant 0 : i32
          %add3A_51 = arith.addi %mul3A_49, %add3A_50 : i32
          %swap3A_52 = arith.index_cast %add3A_51 : i32 to index
          %swap3A_53 = arith.constant 0 : index
          %swap3A_54 = tpu.vector_load %arg12[%swap3A_52, %swap3A_53] {strides = array<i32>} : memref<512x16xf32, #tpu.memory_space<vmem>>, vector<16xf32>,
          tpu.vector_store %arg12[%swap3A_52, %swap3A_53], %get3A_47 {strides = array<i32>} : memref<512x16xf32, #tpu.memory_space<vmem>>, vector<16xf32>,
          %get3A_55 = arith.index_cast %scan3A_36 : i32 to index
          %get3A_56 = arith.constant 16 : index
          %get3A_57 = tpu.vector_load %arg9[%get3A_55, %get3A_56] {strides = array<i32>} : memref<64x128xf32, #tpu.memory_space<vmem>>, vector<16xf32>,
          %mul3A_58 = arith.constant 8 : i32
          %mul3A_59 = arith.muli %scan3A_36, %mul3A_58 : i32
          %add3A_60 = arith.constant 1 : i32
          %add3A_61 = arith.addi %mul3A_59, %add3A_60 : i32
          %swap3A_62 = arith.index_cast %add3A_61 : i32 to index
          %swap3A_63 = arith.constant 0 : index
          %swap3A_64 = tpu.vector_load %arg11[%swap3A_62, %swap3A_63] {strides = array<i32>} : memref<512x16xf32, #tpu.memory_space<vmem>>, vector<16xf32>,
          tpu.vector_store %arg11[%swap3A_62, %swap3A_63], %get3A_57 {strides = array<i32>} : memref<512x16xf32, #tpu.memory_space<vmem>>, vector<16xf32>,
          %get3A_65 = arith.index_cast %scan3A_36 : i32 to index
          %get3A_66 = arith.constant 16 : index
          %get3A_67 = tpu.vector_load %arg10[%get3A_65, %get3A_66] {strides = array<i32>} : memref<64x128xf32, #tpu.memory_space<vmem>>, vector<16xf32>,
          %mul3A_68 = arith.constant 8 : i32
          %mul3A_69 = arith.muli %scan3A_36, %mul3A_68 : i32
          %add3A_70 = arith.constant 1 : i32
          %add3A_71 = arith.addi %mul3A_69, %add3A_70 : i32
          %swap3A_72 = arith.index_cast %add3A_71 : i32 to index
          %swap3A_73 = arith.constant 0 : index
          %swap3A_74 = tpu.vector_load %arg12[%swap3A_72, %swap3A_73] {strides = array<i32>} : memref<512x16xf32, #tpu.memory_space<vmem>>, vector<16xf32>,
          tpu.vector_store %arg12[%swap3A_72, %swap3A_73], %get3A_67 {strides = array<i32>} : memref<512x16xf32, #tpu.memory_space<vmem>>, vector<16xf32>,
          %get3A_75 = arith.index_cast %scan3A_36 : i32 to index
          %get3A_76 = arith.constant 32 : index
          %get3A_77 = tpu.vector_load %arg9[%get3A_75, %get3A_76] {strides = array<i32>} : memref<64x128xf32, #tpu.memory_space<vmem>>, vector<16xf32>,
          %mul3A_78 = arith.constant 8 : i32
          %mul3A_79 = arith.muli %scan3A_36, %mul3A_78 : i32
          %add3A_80 = arith.constant 2 : i32
          %add3A_81 = arith.addi %mul3A_79, %add3A_80 : i32
          %swap3A_82 = arith.index_cast %add3A_81 : i32 to index
          %swap3A_83 = arith.constant 0 : index
          %swap3A_84 = tpu.vector_load %arg11[%swap3A_82, %swap3A_83] {strides = array<i32>} : memref<512x16xf32, #tpu.memory_space<vmem>>, vector<16xf32>,
          tpu.vector_store %arg11[%swap3A_82, %swap3A_83], %get3A_77 {strides = array<i32>} : memref<512x16xf32, #tpu.memory_space<vmem>>, vector<16xf32>,
          %get3A_85 = arith.index_cast %scan3A_36 : i32 to index
          %get3A_86 = arith.constant 32 : index
          %get3A_87 = tpu.vector_load %arg10[%get3A_85, %get3A_86] {strides = array<i32>} : memref<64x128xf32, #tpu.memory_space<vmem>>, vector<16xf32>,
          %mul3A_88 = arith.constant 8 : i32
          %mul3A_89 = arith.muli %scan3A_36, %mul3A_88 : i32
          %add3A_90 = arith.constant 2 : i32
          %add3A_91 = arith.addi %mul3A_89, %add3A_90 : i32
          %swap3A_92 = arith.index_cast %add3A_91 : i32 to index
          %swap3A_93 = arith.constant 0 : index
          %swap3A_94 = tpu.vector_load %arg12[%swap3A_92, %swap3A_93] {strides = array<i32>} : memref<512x16xf32, #tpu.memory_space<vmem>>, vector<16xf32>,
          tpu.vector_store %arg12[%swap3A_92, %swap3A_93], %get3A_87 {strides = array<i32>} : memref<512x16xf32, #tpu.memory_space<vmem>>, vector<16xf32>,
          %get3A_95 = arith.index_cast %scan3A_36 : i32 to index
          %get3A_96 = arith.constant 48 : index
          %get3A_97 = tpu.vector_load %arg9[%get3A_95, %get3A_96] {strides = array<i32>} : memref<64x128xf32, #tpu.memory_space<vmem>>, vector<16xf32>,
          %mul3A_98 = arith.constant 8 : i32
          %mul3A_99 = arith.muli %scan3A_36, %mul3A_98 : i32
          %add3A_100 = arith.constant 3 : i32
          %add3A_101 = arith.addi %mul3A_99, %add3A_100 : i32
          %swap3A_102 = arith.index_cast %add3A_101 : i32 to index
          %swap3A_103 = arith.constant 0 : index
          %swap3A_104 = tpu.vector_load %arg11[%swap3A_102, %swap3A_103] {strides = array<i32>} : memref<512x16xf32, #tpu.memory_space<vmem>>, vector<16xf32>,
          tpu.vector_store %arg11[%swap3A_102, %swap3A_103], %get3A_97 {strides = array<i32>} : memref<512x16xf32, #tpu.memory_space<vmem>>, vector<16xf32>,
          %get3A_105 = arith.index_cast %scan3A_36 : i32 to index
          %get3A_106 = arith.constant 48 : index
          %get3A_107 = tpu.vector_load %arg10[%get3A_105, %get3A_106] {strides = array<i32>} : memref<64x128xf32, #tpu.memory_space<vmem>>, vector<16xf32>,
          %mul3A_108 = arith.constant 8 : i32
          %mul3A_109 = arith.muli %scan3A_36, %mul3A_108 : i32
          %add3A_110 = arith.constant 3 : i32
          %add3A_111 = arith.addi %mul3A_109, %add3A_110 : i32
          %swap3A_112 = arith.index_cast %add3A_111 : i32 to index
          %swap3A_113 = arith.constant 0 : index
          %swap3A_114 = tpu.vector_load %arg12[%swap3A_112, %swap3A_113] {strides = array<i32>} : memref<512x16xf32, #tpu.memory_space<vmem>>, vector<16xf32>,
          tpu.vector_store %arg12[%swap3A_112, %swap3A_113], %get3A_107 {strides = array<i32>} : memref<512x16xf32, #tpu.memory_space<vmem>>, vector<16xf32>,
          %get3A_115 = arith.index_cast %scan3A_36 : i32 to index
          %get3A_116 = arith.constant 64 : index
          %get3A_117 = tpu.vector_load %arg9[%get3A_115, %get3A_116] {strides = array<i32>} : memref<64x128xf32, #tpu.memory_space<vmem>>, vector<16xf32>,
          %mul3A_118 = arith.constant 8 : i32
          %mul3A_119 = arith.muli %scan3A_36, %mul3A_118 : i32
          %add3A_120 = arith.constant 4 : i32
          %add3A_121 = arith.addi %mul3A_119, %add3A_120 : i32
          %swap3A_122 = arith.index_cast %add3A_121 : i32 to index
          %swap3A_123 = arith.constant 0 : index
          %swap3A_124 = tpu.vector_load %arg11[%swap3A_122, %swap3A_123] {strides = array<i32>} : memref<512x16xf32, #tpu.memory_space<vmem>>, vector<16xf32>,
          tpu.vector_store %arg11[%swap3A_122, %swap3A_123], %get3A_117 {strides = array<i32>} : memref<512x16xf32, #tpu.memory_space<vmem>>, vector<16xf32>,
          %get3A_125 = arith.index_cast %scan3A_36 : i32 to index
          %get3A_126 = arith.constant 64 : index
          %get3A_127 = tpu.vector_load %arg10[%get3A_125, %get3A_126] {strides = array<i32>} : memref<64x128xf32, #tpu.memory_space<vmem>>, vector<16xf32>,
          %mul3A_128 = arith.constant 8 : i32
          %mul3A_129 = arith.muli %scan3A_36, %mul3A_128 : i32
          %add3A_130 = arith.constant 4 : i32
          %add3A_131 = arith.addi %mul3A_129, %add3A_130 : i32
          %swap3A_132 = arith.index_cast %add3A_131 : i32 to index
          %swap3A_133 = arith.constant 0 : index
          %swap3A_134 = tpu.vector_load %arg12[%swap3A_132, %swap3A_133] {strides = array<i32>} : memref<512x16xf32, #tpu.memory_space<vmem>>, vector<16xf32>,
          tpu.vector_store %arg12[%swap3A_132, %swap3A_133], %get3A_127 {strides = array<i32>} : memref<512x16xf32, #tpu.memory_space<vmem>>, vector<16xf32>,
          %get3A_135 = arith.index_cast %scan3A_36 : i32 to index
          %get3A_136 = arith.constant 80 : index
          %get3A_137 = tpu.vector_load %arg9[%get3A_135, %get3A_136] {strides = array<i32>} : memref<64x128xf32, #tpu.memory_space<vmem>>, vector<16xf32>,
          %mul3A_138 = arith.constant 8 : i32
          %mul3A_139 = arith.muli %scan3A_36, %mul3A_138 : i32
          %add3A_140 = arith.constant 5 : i32
          %add3A_141 = arith.addi %mul3A_139, %add3A_140 : i32
          %swap3A_142 = arith.index_cast %add3A_141 : i32 to index
          %swap3A_143 = arith.constant 0 : index
          %swap3A_144 = tpu.vector_load %arg11[%swap3A_142, %swap3A_143] {strides = array<i32>} : memref<512x16xf32, #tpu.memory_space<vmem>>, vector<16xf32>,
          tpu.vector_store %arg11[%swap3A_142, %swap3A_143], %get3A_137 {strides = array<i32>} : memref<512x16xf32, #tpu.memory_space<vmem>>, vector<16xf32>,
          %get3A_145 = arith.index_cast %scan3A_36 : i32 to index
          %get3A_146 = arith.constant 80 : index
          %get3A_147 = tpu.vector_load %arg10[%get3A_145, %get3A_146] {strides = array<i32>} : memref<64x128xf32, #tpu.memory_space<vmem>>, vector<16xf32>,
          %mul3A_148 = arith.constant 8 : i32
          %mul3A_149 = arith.muli %scan3A_36, %mul3A_148 : i32
          %add3A_150 = arith.constant 5 : i32
          %add3A_151 = arith.addi %mul3A_149, %add3A_150 : i32
          %swap3A_152 = arith.index_cast %add3A_151 : i32 to index
          %swap3A_153 = arith.constant 0 : index
          %swap3A_154 = tpu.vector_load %arg12[%swap3A_152, %swap3A_153] {strides = array<i32>} : memref<512x16xf32, #tpu.memory_space<vmem>>, vector<16xf32>,
          tpu.vector_store %arg12[%swap3A_152, %swap3A_153], %get3A_147 {strides = array<i32>} : memref<512x16xf32, #tpu.memory_space<vmem>>, vector<16xf32>,
          %get3A_155 = arith.index_cast %scan3A_36 : i32 to index
          %get3A_156 = arith.constant 96 : index
          %get3A_157 = tpu.vector_load %arg9[%get3A_155, %get3A_156] {strides = array<i32>} : memref<64x128xf32, #tpu.memory_space<vmem>>, vector<16xf32>,
          %mul3A_158 = arith.constant 8 : i32
          %mul3A_159 = arith.muli %scan3A_36, %mul3A_158 : i32
          %add3A_160 = arith.constant 6 : i32
          %add3A_161 = arith.addi %mul3A_159, %add3A_160 : i32
          %swap3A_162 = arith.index_cast %add3A_161 : i32 to index
          %swap3A_163 = arith.constant 0 : index
          %swap3A_164 = tpu.vector_load %arg11[%swap3A_162, %swap3A_163] {strides = array<i32>} : memref<512x16xf32, #tpu.memory_space<vmem>>, vector<16xf32>,
          tpu.vector_store %arg11[%swap3A_162, %swap3A_163], %get3A_157 {strides = array<i32>} : memref<512x16xf32, #tpu.memory_space<vmem>>, vector<16xf32>,
          %get3A_165 = arith.index_cast %scan3A_36 : i32 to index
          %get3A_166 = arith.constant 96 : index
          %get3A_167 = tpu.vector_load %arg10[%get3A_165, %get3A_166] {strides = array<i32>} : memref<64x128xf32, #tpu.memory_space<vmem>>, vector<16xf32>,
          %mul3A_168 = arith.constant 8 : i32
          %mul3A_169 = arith.muli %scan3A_36, %mul3A_168 : i32
          %add3A_170 = arith.constant 6 : i32
          %add3A_171 = arith.addi %mul3A_169, %add3A_170 : i32
          %swap3A_172 = arith.index_cast %add3A_171 : i32 to index
          %swap3A_173 = arith.constant 0 : index
          %swap3A_174 = tpu.vector_load %arg12[%swap3A_172, %swap3A_173] {strides = array<i32>} : memref<512x16xf32, #tpu.memory_space<vmem>>, vector<16xf32>,
          tpu.vector_store %arg12[%swap3A_172, %swap3A_173], %get3A_167 {strides = array<i32>} : memref<512x16xf32, #tpu.memory_space<vmem>>, vector<16xf32>,
          %get3A_175 = arith.index_cast %scan3A_36 : i32 to index
          %get3A_176 = arith.constant 112 : index
          %get3A_177 = tpu.vector_load %arg9[%get3A_175, %get3A_176] {strides = array<i32>} : memref<64x128xf32, #tpu.memory_space<vmem>>, vector<16xf32>,
          %mul3A_178 = arith.constant 8 : i32
          %mul3A_179 = arith.muli %scan3A_36, %mul3A_178 : i32
          %add3A_180 = arith.constant 7 : i32
          %add3A_181 = arith.addi %mul3A_179, %add3A_180 : i32
          %swap3A_182 = arith.index_cast %add3A_181 : i32 to index
          %swap3A_183 = arith.constant 0 : index
          %swap3A_184 = tpu.vector_load %arg11[%swap3A_182, %swap3A_183] {strides = array<i32>} : memref<512x16xf32, #tpu.memory_space<vmem>>, vector<16xf32>,
          tpu.vector_store %arg11[%swap3A_182, %swap3A_183], %get3A_177 {strides = array<i32>} : memref<512x16xf32, #tpu.memory_space<vmem>>, vector<16xf32>,
          %get3A_185 = arith.index_cast %scan3A_36 : i32 to index
          %get3A_186 = arith.constant 112 : index
          %get3A_187 = tpu.vector_load %arg10[%get3A_185, %get3A_186] {strides = array<i32>} : memref<64x128xf32, #tpu.memory_space<vmem>>, vector<16xf32>,
          %mul3A_188 = arith.constant 8 : i32
          %mul3A_189 = arith.muli %scan3A_36, %mul3A_188 : i32
          %add3A_190 = arith.constant 7 : i32
          %add3A_191 = arith.addi %mul3A_189, %add3A_190 : i32
          %swap3A_192 = arith.index_cast %add3A_191 : i32 to index
          %swap3A_193 = arith.constant 0 : index
          %swap3A_194 = tpu.vector_load %arg12[%swap3A_192, %swap3A_193] {strides = array<i32>} : memref<512x16xf32, #tpu.memory_space<vmem>>, vector<16xf32>,
          tpu.vector_store %arg12[%swap3A_192, %swap3A_193], %get3A_187 {strides = array<i32>} : memref<512x16xf32, #tpu.memory_space<vmem>>, vector<16xf32>,
        }
        %scan3A_28 = arith.constant 64 : i32
        %run_scoped3A = arith.constant 0 : i32
        "tpu.region"() ({
          %run_scoped3A_36 = tpu.sem_alloc : memref<!tpu.dma_semaphore, #tpu.memory_space<semaphore_mem>>
          %dma_start3A = arith.constant 0 : i32
          %dma_start3A_37 = arith.constant 0 : i32
          %dma_start3A_38 = tpu.memref_slice %arg11[%dma_start3A, %dma_start3A_37] : memref<512x16xf32, #tpu.memory_space<vmem>> -> memref<128x16xf32, #tpu.memory_space<vmem>>
          %dma_start3A_39 = arith.constant 0 : i32
          %dma_start3A_40 = tpu.memref_slice %arg13[%run_scoped3A, %dma_start3A_39] : memref<4x128xi32, #tpu.memory_space<vmem>> -> memref<1x128xi32, #tpu.memory_space<vmem>>
          %dma_start3A_41 = tpu.memref_squeeze %dma_start3A_40 : memref<1x128xi32, #tpu.memory_space<vmem>> -> memref<128xi32, #tpu.memory_space<vmem>>
          %dma_start3A_42 = arith.constant 0 : i32
          %dma_start3A_43 = arith.constant 0 : i32
          %dma_start3A_44 = tpu.memref_slice %arg15[%dma_start3A_42, %dma_start3A_43] : memref<4096x16xf32, #tpu.memory_space<vmem_shared>> -> memref<4096x16xf32, #tpu.memory_space<vmem_shared>>
          tpu.enqueue_indirect_dma source(%dma_start3A_38 : memref<128x16xf32, #tpu.memory_space<vmem>>) target(%dma_start3A_44 : memref<4096x16xf32, #tpu.memory_space<vmem_shared>>) offsets(%dma_start3A_41 : memref<128xi32, #tpu.memory_space<vmem>>) semaphore(%run_scoped3A_36 : memref<!tpu.dma_semaphore, #tpu.memory_space<semaphore_mem>>) {add = true}
          %dma_wait3A = arith.constant 0 : i32
          %dma_wait3A_45 = arith.constant 0 : i32
          %dma_wait3A_46 = tpu.memref_slice %arg11[%dma_wait3A, %dma_wait3A_45] : memref<512x16xf32, #tpu.memory_space<vmem>> -> memref<128x16xf32, #tpu.memory_space<vmem>>
          %dma_wait3A_47 = arith.constant 0 : i32
          %dma_wait3A_48 = tpu.memref_slice %arg13[%run_scoped3A, %dma_wait3A_47] : memref<4x128xi32, #tpu.memory_space<vmem>> -> memref<1x128xi32, #tpu.memory_space<vmem>>
          %dma_wait3A_49 = tpu.memref_squeeze %dma_wait3A_48 : memref<1x128xi32, #tpu.memory_space<vmem>> -> memref<128xi32, #tpu.memory_space<vmem>>
          %dma_wait3A_50 = arith.constant 0 : i32
          %dma_wait3A_51 = arith.constant 0 : i32
          %dma_wait3A_52 = tpu.memref_slice %arg15[%dma_wait3A_50, %dma_wait3A_51] : memref<4096x16xf32, #tpu.memory_space<vmem_shared>> -> memref<4096x16xf32, #tpu.memory_space<vmem_shared>>
          tpu.wait_indirect_dma semaphore(%run_scoped3A_36 : memref<!tpu.dma_semaphore, #tpu.memory_space<semaphore_mem>>) src(%dma_wait3A_46 : memref<128x16xf32, #tpu.memory_space<vmem>>) dst(%dma_wait3A_52 : memref<4096x16xf32, #tpu.memory_space<vmem_shared>>)
          tpu.yield
        }) : () -> ()
        %run_scoped3A_29 = arith.constant 0 : i32
        "tpu.region"() ({
          %run_scoped3A_36 = tpu.sem_alloc : memref<!tpu.dma_semaphore, #tpu.memory_space<semaphore_mem>>
          %dma_start3A = arith.constant 0 : i32
          %dma_start3A_37 = arith.constant 0 : i32
          %dma_start3A_38 = tpu.memref_slice %arg12[%dma_start3A, %dma_start3A_37] : memref<512x16xf32, #tpu.memory_space<vmem>> -> memref<128x16xf32, #tpu.memory_space<vmem>>
          %dma_start3A_39 = arith.constant 0 : i32
          %dma_start3A_40 = tpu.memref_slice %arg14[%run_scoped3A_29, %dma_start3A_39] : memref<4x128xi32, #tpu.memory_space<vmem>> -> memref<1x128xi32, #tpu.memory_space<vmem>>
          %dma_start3A_41 = tpu.memref_squeeze %dma_start3A_40 : memref<1x128xi32, #tpu.memory_space<vmem>> -> memref<128xi32, #tpu.memory_space<vmem>>
          %dma_start3A_42 = arith.constant 0 : i32
          %dma_start3A_43 = arith.constant 0 : i32
          %dma_start3A_44 = tpu.memref_slice %arg16[%dma_start3A_42, %dma_start3A_43] : memref<4096x16xf32, #tpu.memory_space<vmem_shared>> -> memref<4096x16xf32, #tpu.memory_space<vmem_shared>>
          tpu.enqueue_indirect_dma source(%dma_start3A_38 : memref<128x16xf32, #tpu.memory_space<vmem>>) target(%dma_start3A_44 : memref<4096x16xf32, #tpu.memory_space<vmem_shared>>) offsets(%dma_start3A_41 : memref<128xi32, #tpu.memory_space<vmem>>) semaphore(%run_scoped3A_36 : memref<!tpu.dma_semaphore, #tpu.memory_space<semaphore_mem>>) {add = true}
          %dma_wait3A = arith.constant 0 : i32
          %dma_wait3A_45 = arith.constant 0 : i32
          %dma_wait3A_46 = tpu.memref_slice %arg12[%dma_wait3A, %dma_wait3A_45] : memref<512x16xf32, #tpu.memory_space<vmem>> -> memref<128x16xf32, #tpu.memory_space<vmem>>
          %dma_wait3A_47 = arith.constant 0 : i32
          %dma_wait3A_48 = tpu.memref_slice %arg14[%run_scoped3A_29, %dma_wait3A_47] : memref<4x128xi32, #tpu.memory_space<vmem>> -> memref<1x128xi32, #tpu.memory_space<vmem>>
          %dma_wait3A_49 = tpu.memref_squeeze %dma_wait3A_48 : memref<1x128xi32, #tpu.memory_space<vmem>> -> memref<128xi32, #tpu.memory_space<vmem>>
          %dma_wait3A_50 = arith.constant 0 : i32
          %dma_wait3A_51 = arith.constant 0 : i32
          %dma_wait3A_52 = tpu.memref_slice %arg16[%dma_wait3A_50, %dma_wait3A_51] : memref<4096x16xf32, #tpu.memory_space<vmem_shared>> -> memref<4096x16xf32, #tpu.memory_space<vmem_shared>>
          tpu.wait_indirect_dma semaphore(%run_scoped3A_36 : memref<!tpu.dma_semaphore, #tpu.memory_space<semaphore_mem>>) src(%dma_wait3A_46 : memref<128x16xf32, #tpu.memory_space<vmem>>) dst(%dma_wait3A_52 : memref<4096x16xf32, #tpu.memory_space<vmem_shared>>)
          tpu.yield
        }) : () -> ()
        %run_scoped3A_30 = arith.constant 1 : i32
        "tpu.region"() ({
          %run_scoped3A_36 = tpu.sem_alloc : memref<!tpu.dma_semaphore, #tpu.memory_space<semaphore_mem>>
          %dma_start3A = arith.constant 128 : i32
          %dma_start3A_37 = arith.constant 0 : i32
          %dma_start3A_38 = tpu.memref_slice %arg11[%dma_start3A, %dma_start3A_37] : memref<512x16xf32, #tpu.memory_space<vmem>> -> memref<128x16xf32, #tpu.memory_space<vmem>>
          %dma_start3A_39 = arith.constant 0 : i32
          %dma_start3A_40 = tpu.memref_slice %arg13[%run_scoped3A_30, %dma_start3A_39] : memref<4x128xi32, #tpu.memory_space<vmem>> -> memref<1x128xi32, #tpu.memory_space<vmem>>
          %dma_start3A_41 = tpu.memref_squeeze %dma_start3A_40 : memref<1x128xi32, #tpu.memory_space<vmem>> -> memref<128xi32, #tpu.memory_space<vmem>>
          %dma_start3A_42 = arith.constant 0 : i32
          %dma_start3A_43 = arith.constant 0 : i32
          %dma_start3A_44 = tpu.memref_slice %arg15[%dma_start3A_42, %dma_start3A_43] : memref<4096x16xf32, #tpu.memory_space<vmem_shared>> -> memref<4096x16xf32, #tpu.memory_space<vmem_shared>>
          tpu.enqueue_indirect_dma source(%dma_start3A_38 : memref<128x16xf32, #tpu.memory_space<vmem>>) target(%dma_start3A_44 : memref<4096x16xf32, #tpu.memory_space<vmem_shared>>) offsets(%dma_start3A_41 : memref<128xi32, #tpu.memory_space<vmem>>) semaphore(%run_scoped3A_36 : memref<!tpu.dma_semaphore, #tpu.memory_space<semaphore_mem>>) {add = true}
          %dma_wait3A = arith.constant 128 : i32
          %dma_wait3A_45 = arith.constant 0 : i32
          %dma_wait3A_46 = tpu.memref_slice %arg11[%dma_wait3A, %dma_wait3A_45] : memref<512x16xf32, #tpu.memory_space<vmem>> -> memref<128x16xf32, #tpu.memory_space<vmem>>
          %dma_wait3A_47 = arith.constant 0 : i32
          %dma_wait3A_48 = tpu.memref_slice %arg13[%run_scoped3A_30, %dma_wait3A_47] : memref<4x128xi32, #tpu.memory_space<vmem>> -> memref<1x128xi32, #tpu.memory_space<vmem>>
          %dma_wait3A_49 = tpu.memref_squeeze %dma_wait3A_48 : memref<1x128xi32, #tpu.memory_space<vmem>> -> memref<128xi32, #tpu.memory_space<vmem>>
          %dma_wait3A_50 = arith.constant 0 : i32
          %dma_wait3A_51 = arith.constant 0 : i32
          %dma_wait3A_52 = tpu.memref_slice %arg15[%dma_wait3A_50, %dma_wait3A_51] : memref<4096x16xf32, #tpu.memory_space<vmem_shared>> -> memref<4096x16xf32, #tpu.memory_space<vmem_shared>>
          tpu.wait_indirect_dma semaphore(%run_scoped3A_36 : memref<!tpu.dma_semaphore, #tpu.memory_space<semaphore_mem>>) src(%dma_wait3A_46 : memref<128x16xf32, #tpu.memory_space<vmem>>) dst(%dma_wait3A_52 : memref<4096x16xf32, #tpu.memory_space<vmem_shared>>)
          tpu.yield
        }) : () -> ()
        %run_scoped3A_31 = arith.constant 1 : i32
        "tpu.region"() ({
          %run_scoped3A_36 = tpu.sem_alloc : memref<!tpu.dma_semaphore, #tpu.memory_space<semaphore_mem>>
          %dma_start3A = arith.constant 128 : i32
          %dma_start3A_37 = arith.constant 0 : i32
          %dma_start3A_38 = tpu.memref_slice %arg12[%dma_start3A, %dma_start3A_37] : memref<512x16xf32, #tpu.memory_space<vmem>> -> memref<128x16xf32, #tpu.memory_space<vmem>>
          %dma_start3A_39 = arith.constant 0 : i32
          %dma_start3A_40 = tpu.memref_slice %arg14[%run_scoped3A_31, %dma_start3A_39] : memref<4x128xi32, #tpu.memory_space<vmem>> -> memref<1x128xi32, #tpu.memory_space<vmem>>
          %dma_start3A_41 = tpu.memref_squeeze %dma_start3A_40 : memref<1x128xi32, #tpu.memory_space<vmem>> -> memref<128xi32, #tpu.memory_space<vmem>>
          %dma_start3A_42 = arith.constant 0 : i32
          %dma_start3A_43 = arith.constant 0 : i32
          %dma_start3A_44 = tpu.memref_slice %arg16[%dma_start3A_42, %dma_start3A_43] : memref<4096x16xf32, #tpu.memory_space<vmem_shared>> -> memref<4096x16xf32, #tpu.memory_space<vmem_shared>>
          tpu.enqueue_indirect_dma source(%dma_start3A_38 : memref<128x16xf32, #tpu.memory_space<vmem>>) target(%dma_start3A_44 : memref<4096x16xf32, #tpu.memory_space<vmem_shared>>) offsets(%dma_start3A_41 : memref<128xi32, #tpu.memory_space<vmem>>) semaphore(%run_scoped3A_36 : memref<!tpu.dma_semaphore, #tpu.memory_space<semaphore_mem>>) {add = true}
          %dma_wait3A = arith.constant 128 : i32
          %dma_wait3A_45 = arith.constant 0 : i32
          %dma_wait3A_46 = tpu.memref_slice %arg12[%dma_wait3A, %dma_wait3A_45] : memref<512x16xf32, #tpu.memory_space<vmem>> -> memref<128x16xf32, #tpu.memory_space<vmem>>
          %dma_wait3A_47 = arith.constant 0 : i32
          %dma_wait3A_48 = tpu.memref_slice %arg14[%run_scoped3A_31, %dma_wait3A_47] : memref<4x128xi32, #tpu.memory_space<vmem>> -> memref<1x128xi32, #tpu.memory_space<vmem>>
          %dma_wait3A_49 = tpu.memref_squeeze %dma_wait3A_48 : memref<1x128xi32, #tpu.memory_space<vmem>> -> memref<128xi32, #tpu.memory_space<vmem>>
          %dma_wait3A_50 = arith.constant 0 : i32
          %dma_wait3A_51 = arith.constant 0 : i32
          %dma_wait3A_52 = tpu.memref_slice %arg16[%dma_wait3A_50, %dma_wait3A_51] : memref<4096x16xf32, #tpu.memory_space<vmem_shared>> -> memref<4096x16xf32, #tpu.memory_space<vmem_shared>>
          tpu.wait_indirect_dma semaphore(%run_scoped3A_36 : memref<!tpu.dma_semaphore, #tpu.memory_space<semaphore_mem>>) src(%dma_wait3A_46 : memref<128x16xf32, #tpu.memory_space<vmem>>) dst(%dma_wait3A_52 : memref<4096x16xf32, #tpu.memory_space<vmem_shared>>)
          tpu.yield
        }) : () -> ()
        %run_scoped3A_32 = arith.constant 2 : i32
        "tpu.region"() ({
          %run_scoped3A_36 = tpu.sem_alloc : memref<!tpu.dma_semaphore, #tpu.memory_space<semaphore_mem>>
          %dma_start3A = arith.constant 256 : i32
          %dma_start3A_37 = arith.constant 0 : i32
          %dma_start3A_38 = tpu.memref_slice %arg11[%dma_start3A, %dma_start3A_37] : memref<512x16xf32, #tpu.memory_space<vmem>> -> memref<128x16xf32, #tpu.memory_space<vmem>>
          %dma_start3A_39 = arith.constant 0 : i32
          %dma_start3A_40 = tpu.memref_slice %arg13[%run_scoped3A_32, %dma_start3A_39] : memref<4x128xi32, #tpu.memory_space<vmem>> -> memref<1x128xi32, #tpu.memory_space<vmem>>
          %dma_start3A_41 = tpu.memref_squeeze %dma_start3A_40 : memref<1x128xi32, #tpu.memory_space<vmem>> -> memref<128xi32, #tpu.memory_space<vmem>>
          %dma_start3A_42 = arith.constant 0 : i32
          %dma_start3A_43 = arith.constant 0 : i32
          %dma_start3A_44 = tpu.memref_slice %arg15[%dma_start3A_42, %dma_start3A_43] : memref<4096x16xf32, #tpu.memory_space<vmem_shared>> -> memref<4096x16xf32, #tpu.memory_space<vmem_shared>>
          tpu.enqueue_indirect_dma source(%dma_start3A_38 : memref<128x16xf32, #tpu.memory_space<vmem>>) target(%dma_start3A_44 : memref<4096x16xf32, #tpu.memory_space<vmem_shared>>) offsets(%dma_start3A_41 : memref<128xi32, #tpu.memory_space<vmem>>) semaphore(%run_scoped3A_36 : memref<!tpu.dma_semaphore, #tpu.memory_space<semaphore_mem>>) {add = true}
          %dma_wait3A = arith.constant 256 : i32
          %dma_wait3A_45 = arith.constant 0 : i32
          %dma_wait3A_46 = tpu.memref_slice %arg11[%dma_wait3A, %dma_wait3A_45] : memref<512x16xf32, #tpu.memory_space<vmem>> -> memref<128x16xf32, #tpu.memory_space<vmem>>
          %dma_wait3A_47 = arith.constant 0 : i32
          %dma_wait3A_48 = tpu.memref_slice %arg13[%run_scoped3A_32, %dma_wait3A_47] : memref<4x128xi32, #tpu.memory_space<vmem>> -> memref<1x128xi32, #tpu.memory_space<vmem>>
          %dma_wait3A_49 = tpu.memref_squeeze %dma_wait3A_48 : memref<1x128xi32, #tpu.memory_space<vmem>> -> memref<128xi32, #tpu.memory_space<vmem>>
          %dma_wait3A_50 = arith.constant 0 : i32
          %dma_wait3A_51 = arith.constant 0 : i32
          %dma_wait3A_52 = tpu.memref_slice %arg15[%dma_wait3A_50, %dma_wait3A_51] : memref<4096x16xf32, #tpu.memory_space<vmem_shared>> -> memref<4096x16xf32, #tpu.memory_space<vmem_shared>>
          tpu.wait_indirect_dma semaphore(%run_scoped3A_36 : memref<!tpu.dma_semaphore, #tpu.memory_space<semaphore_mem>>) src(%dma_wait3A_46 : memref<128x16xf32, #tpu.memory_space<vmem>>) dst(%dma_wait3A_52 : memref<4096x16xf32, #tpu.memory_space<vmem_shared>>)
          tpu.yield
        }) : () -> ()
        %run_scoped3A_33 = arith.constant 2 : i32
        "tpu.region"() ({
          %run_scoped3A_36 = tpu.sem_alloc : memref<!tpu.dma_semaphore, #tpu.memory_space<semaphore_mem>>
          %dma_start3A = arith.constant 256 : i32
          %dma_start3A_37 = arith.constant 0 : i32
          %dma_start3A_38 = tpu.memref_slice %arg12[%dma_start3A, %dma_start3A_37] : memref<512x16xf32, #tpu.memory_space<vmem>> -> memref<128x16xf32, #tpu.memory_space<vmem>>
          %dma_start3A_39 = arith.constant 0 : i32
          %dma_start3A_40 = tpu.memref_slice %arg14[%run_scoped3A_33, %dma_start3A_39] : memref<4x128xi32, #tpu.memory_space<vmem>> -> memref<1x128xi32, #tpu.memory_space<vmem>>
          %dma_start3A_41 = tpu.memref_squeeze %dma_start3A_40 : memref<1x128xi32, #tpu.memory_space<vmem>> -> memref<128xi32, #tpu.memory_space<vmem>>
          %dma_start3A_42 = arith.constant 0 : i32
          %dma_start3A_43 = arith.constant 0 : i32
          %dma_start3A_44 = tpu.memref_slice %arg16[%dma_start3A_42, %dma_start3A_43] : memref<4096x16xf32, #tpu.memory_space<vmem_shared>> -> memref<4096x16xf32, #tpu.memory_space<vmem_shared>>
          tpu.enqueue_indirect_dma source(%dma_start3A_38 : memref<128x16xf32, #tpu.memory_space<vmem>>) target(%dma_start3A_44 : memref<4096x16xf32, #tpu.memory_space<vmem_shared>>) offsets(%dma_start3A_41 : memref<128xi32, #tpu.memory_space<vmem>>) semaphore(%run_scoped3A_36 : memref<!tpu.dma_semaphore, #tpu.memory_space<semaphore_mem>>) {add = true}
          %dma_wait3A = arith.constant 256 : i32
          %dma_wait3A_45 = arith.constant 0 : i32
          %dma_wait3A_46 = tpu.memref_slice %arg12[%dma_wait3A, %dma_wait3A_45] : memref<512x16xf32, #tpu.memory_space<vmem>> -> memref<128x16xf32, #tpu.memory_space<vmem>>
          %dma_wait3A_47 = arith.constant 0 : i32
          %dma_wait3A_48 = tpu.memref_slice %arg14[%run_scoped3A_33, %dma_wait3A_47] : memref<4x128xi32, #tpu.memory_space<vmem>> -> memref<1x128xi32, #tpu.memory_space<vmem>>
          %dma_wait3A_49 = tpu.memref_squeeze %dma_wait3A_48 : memref<1x128xi32, #tpu.memory_space<vmem>> -> memref<128xi32, #tpu.memory_space<vmem>>
          %dma_wait3A_50 = arith.constant 0 : i32
          %dma_wait3A_51 = arith.constant 0 : i32
          %dma_wait3A_52 = tpu.memref_slice %arg16[%dma_wait3A_50, %dma_wait3A_51] : memref<4096x16xf32, #tpu.memory_space<vmem_shared>> -> memref<4096x16xf32, #tpu.memory_space<vmem_shared>>
          tpu.wait_indirect_dma semaphore(%run_scoped3A_36 : memref<!tpu.dma_semaphore, #tpu.memory_space<semaphore_mem>>) src(%dma_wait3A_46 : memref<128x16xf32, #tpu.memory_space<vmem>>) dst(%dma_wait3A_52 : memref<4096x16xf32, #tpu.memory_space<vmem_shared>>)
          tpu.yield
        }) : () -> ()
        %run_scoped3A_34 = arith.constant 3 : i32
        "tpu.region"() ({
          %run_scoped3A_36 = tpu.sem_alloc : memref<!tpu.dma_semaphore, #tpu.memory_space<semaphore_mem>>
          %dma_start3A = arith.constant 384 : i32
          %dma_start3A_37 = arith.constant 0 : i32
          %dma_start3A_38 = tpu.memref_slice %arg11[%dma_start3A, %dma_start3A_37] : memref<512x16xf32, #tpu.memory_space<vmem>> -> memref<128x16xf32, #tpu.memory_space<vmem>>
          %dma_start3A_39 = arith.constant 0 : i32
          %dma_start3A_40 = tpu.memref_slice %arg13[%run_scoped3A_34, %dma_start3A_39] : memref<4x128xi32, #tpu.memory_space<vmem>> -> memref<1x128xi32, #tpu.memory_space<vmem>>
          %dma_start3A_41 = tpu.memref_squeeze %dma_start3A_40 : memref<1x128xi32, #tpu.memory_space<vmem>> -> memref<128xi32, #tpu.memory_space<vmem>>
          %dma_start3A_42 = arith.constant 0 : i32
          %dma_start3A_43 = arith.constant 0 : i32
          %dma_start3A_44 = tpu.memref_slice %arg15[%dma_start3A_42, %dma_start3A_43] : memref<4096x16xf32, #tpu.memory_space<vmem_shared>> -> memref<4096x16xf32, #tpu.memory_space<vmem_shared>>
          tpu.enqueue_indirect_dma source(%dma_start3A_38 : memref<128x16xf32, #tpu.memory_space<vmem>>) target(%dma_start3A_44 : memref<4096x16xf32, #tpu.memory_space<vmem_shared>>) offsets(%dma_start3A_41 : memref<128xi32, #tpu.memory_space<vmem>>) semaphore(%run_scoped3A_36 : memref<!tpu.dma_semaphore, #tpu.memory_space<semaphore_mem>>) {add = true}
          %dma_wait3A = arith.constant 384 : i32
          %dma_wait3A_45 = arith.constant 0 : i32
          %dma_wait3A_46 = tpu.memref_slice %arg11[%dma_wait3A, %dma_wait3A_45] : memref<512x16xf32, #tpu.memory_space<vmem>> -> memref<128x16xf32, #tpu.memory_space<vmem>>
          %dma_wait3A_47 = arith.constant 0 : i32
          %dma_wait3A_48 = tpu.memref_slice %arg13[%run_scoped3A_34, %dma_wait3A_47] : memref<4x128xi32, #tpu.memory_space<vmem>> -> memref<1x128xi32, #tpu.memory_space<vmem>>
          %dma_wait3A_49 = tpu.memref_squeeze %dma_wait3A_48 : memref<1x128xi32, #tpu.memory_space<vmem>> -> memref<128xi32, #tpu.memory_space<vmem>>
          %dma_wait3A_50 = arith.constant 0 : i32
          %dma_wait3A_51 = arith.constant 0 : i32
          %dma_wait3A_52 = tpu.memref_slice %arg15[%dma_wait3A_50, %dma_wait3A_51] : memref<4096x16xf32, #tpu.memory_space<vmem_shared>> -> memref<4096x16xf32, #tpu.memory_space<vmem_shared>>
          tpu.wait_indirect_dma semaphore(%run_scoped3A_36 : memref<!tpu.dma_semaphore, #tpu.memory_space<semaphore_mem>>) src(%dma_wait3A_46 : memref<128x16xf32, #tpu.memory_space<vmem>>) dst(%dma_wait3A_52 : memref<4096x16xf32, #tpu.memory_space<vmem_shared>>)
          tpu.yield
        }) : () -> ()
        %run_scoped3A_35 = arith.constant 3 : i32
        "tpu.region"() ({
          %run_scoped3A_36 = tpu.sem_alloc : memref<!tpu.dma_semaphore, #tpu.memory_space<semaphore_mem>>
          %dma_start3A = arith.constant 384 : i32
          %dma_start3A_37 = arith.constant 0 : i32
          %dma_start3A_38 = tpu.memref_slice %arg12[%dma_start3A, %dma_start3A_37] : memref<512x16xf32, #tpu.memory_space<vmem>> -> memref<128x16xf32, #tpu.memory_space<vmem>>
          %dma_start3A_39 = arith.constant 0 : i32
          %dma_start3A_40 = tpu.memref_slice %arg14[%run_scoped3A_35, %dma_start3A_39] : memref<4x128xi32, #tpu.memory_space<vmem>> -> memref<1x128xi32, #tpu.memory_space<vmem>>
          %dma_start3A_41 = tpu.memref_squeeze %dma_start3A_40 : memref<1x128xi32, #tpu.memory_space<vmem>> -> memref<128xi32, #tpu.memory_space<vmem>>
          %dma_start3A_42 = arith.constant 0 : i32
          %dma_start3A_43 = arith.constant 0 : i32
          %dma_start3A_44 = tpu.memref_slice %arg16[%dma_start3A_42, %dma_start3A_43] : memref<4096x16xf32, #tpu.memory_space<vmem_shared>> -> memref<4096x16xf32, #tpu.memory_space<vmem_shared>>
          tpu.enqueue_indirect_dma source(%dma_start3A_38 : memref<128x16xf32, #tpu.memory_space<vmem>>) target(%dma_start3A_44 : memref<4096x16xf32, #tpu.memory_space<vmem_shared>>) offsets(%dma_start3A_41 : memref<128xi32, #tpu.memory_space<vmem>>) semaphore(%run_scoped3A_36 : memref<!tpu.dma_semaphore, #tpu.memory_space<semaphore_mem>>) {add = true}
          %dma_wait3A = arith.constant 384 : i32
          %dma_wait3A_45 = arith.constant 0 : i32
          %dma_wait3A_46 = tpu.memref_slice %arg12[%dma_wait3A, %dma_wait3A_45] : memref<512x16xf32, #tpu.memory_space<vmem>> -> memref<128x16xf32, #tpu.memory_space<vmem>>
          %dma_wait3A_47 = arith.constant 0 : i32
          %dma_wait3A_48 = tpu.memref_slice %arg14[%run_scoped3A_35, %dma_wait3A_47] : memref<4x128xi32, #tpu.memory_space<vmem>> -> memref<1x128xi32, #tpu.memory_space<vmem>>
          %dma_wait3A_49 = tpu.memref_squeeze %dma_wait3A_48 : memref<1x128xi32, #tpu.memory_space<vmem>> -> memref<128xi32, #tpu.memory_space<vmem>>
          %dma_wait3A_50 = arith.constant 0 : i32
          %dma_wait3A_51 = arith.constant 0 : i32
          %dma_wait3A_52 = tpu.memref_slice %arg16[%dma_wait3A_50, %dma_wait3A_51] : memref<4096x16xf32, #tpu.memory_space<vmem_shared>> -> memref<4096x16xf32, #tpu.memory_space<vmem_shared>>
          tpu.wait_indirect_dma semaphore(%run_scoped3A_36 : memref<!tpu.dma_semaphore, #tpu.memory_space<semaphore_mem>>) src(%dma_wait3A_46 : memref<128x16xf32, #tpu.memory_space<vmem>>) dst(%dma_wait3A_52 : memref<4096x16xf32, #tpu.memory_space<vmem_shared>>)
          tpu.yield
        }) : () -> ()
      } else {
      }
    }
    %scan3A_7 = arith.constant 98 : i32
    %barrier3A_8 = arith.constant 0 : index
    tpu.barrier barrier_id(%barrier3A_8)
    "tpu.region"() ({
      %run_scoped3A = tpu.sem_alloc : memref<!tpu.dma_semaphore, #tpu.memory_space<semaphore_mem>>
      %dma_start3A = arith.constant 0 : i32
      %dma_start3A_9 = tpu.memref_slice %arg7[%arg0, %mul3A_2, %dma_start3A] : memref<2x4096x16xf32, #tpu.memory_space<hbm>> -> memref<1x256x16xf32, #tpu.memory_space<hbm>>
      %dma_start3A_10 = tpu.memref_squeeze %dma_start3A_9 : memref<1x256x16xf32, #tpu.memory_space<hbm>> -> memref<256x16xf32, #tpu.memory_space<hbm>>
      %dma_start3A_11 = arith.constant 0 : i32
      %dma_start3A_12 = tpu.memref_slice %arg15[%mul3A_2, %dma_start3A_11] : memref<4096x16xf32, #tpu.memory_space<vmem_shared>> -> memref<256x16xf32, #tpu.memory_space<vmem_shared>>
      tpu.enqueue_dma source(%dma_start3A_12 : memref<256x16xf32, #tpu.memory_space<vmem_shared>>) target(%dma_start3A_10 : memref<256x16xf32, #tpu.memory_space<hbm>>) target_semaphore(%run_scoped3A : memref<!tpu.dma_semaphore, #tpu.memory_space<semaphore_mem>>)
      %dma_wait3A = arith.constant 0 : i32
      %dma_wait3A_13 = tpu.memref_slice %arg7[%arg0, %mul3A_2, %dma_wait3A] : memref<2x4096x16xf32, #tpu.memory_space<hbm>> -> memref<1x256x16xf32, #tpu.memory_space<hbm>>
      %dma_wait3A_14 = tpu.memref_squeeze %dma_wait3A_13 : memref<1x256x16xf32, #tpu.memory_space<hbm>> -> memref<256x16xf32, #tpu.memory_space<hbm>>
      %dma_wait3A_15 = arith.constant 0 : i32
      %dma_wait3A_16 = tpu.memref_slice %arg15[%mul3A_2, %dma_wait3A_15] : memref<4096x16xf32, #tpu.memory_space<vmem_shared>> -> memref<256x16xf32, #tpu.memory_space<vmem_shared>>
      tpu.wait_dma2 semaphore(%run_scoped3A : memref<!tpu.dma_semaphore, #tpu.memory_space<semaphore_mem>>) src(%dma_wait3A_16 : memref<256x16xf32, #tpu.memory_space<vmem_shared>>) dst(%dma_wait3A_14 : memref<256x16xf32, #tpu.memory_space<hbm>>)
      tpu.yield
    }) : () -> ()
    "tpu.region"() ({
      %run_scoped3A = tpu.sem_alloc : memref<!tpu.dma_semaphore, #tpu.memory_space<semaphore_mem>>
      %dma_start3A = arith.constant 0 : i32
      %dma_start3A_9 = tpu.memref_slice %arg8[%arg0, %mul3A_2, %dma_start3A] : memref<2x4096x16xf32, #tpu.memory_space<hbm>> -> memref<1x256x16xf32, #tpu.memory_space<hbm>>
      %dma_start3A_10 = tpu.memref_squeeze %dma_start3A_9 : memref<1x256x16xf32, #tpu.memory_space<hbm>> -> memref<256x16xf32, #tpu.memory_space<hbm>>
      %dma_start3A_11 = arith.constant 0 : i32
      %dma_start3A_12 = tpu.memref_slice %arg16[%mul3A_2, %dma_start3A_11] : memref<4096x16xf32, #tpu.memory_space<vmem_shared>> -> memref<256x16xf32, #tpu.memory_space<vmem_shared>>
      tpu.enqueue_dma source(%dma_start3A_12 : memref<256x16xf32, #tpu.memory_space<vmem_shared>>) target(%dma_start3A_10 : memref<256x16xf32, #tpu.memory_space<hbm>>) target_semaphore(%run_scoped3A : memref<!tpu.dma_semaphore, #tpu.memory_space<semaphore_mem>>)
      %dma_wait3A = arith.constant 0 : i32
      %dma_wait3A_13 = tpu.memref_slice %arg8[%arg0, %mul3A_2, %dma_wait3A] : memref<2x4096x16xf32, #tpu.memory_space<hbm>> -> memref<1x256x16xf32, #tpu.memory_space<hbm>>
      %dma_wait3A_14 = tpu.memref_squeeze %dma_wait3A_13 : memref<1x256x16xf32, #tpu.memory_space<hbm>> -> memref<256x16xf32, #tpu.memory_space<hbm>>
      %dma_wait3A_15 = arith.constant 0 : i32
      %dma_wait3A_16 = tpu.memref_slice %arg16[%mul3A_2, %dma_wait3A_15] : memref<4096x16xf32, #tpu.memory_space<vmem_shared>> -> memref<256x16xf32, #tpu.memory_space<vmem_shared>>
      tpu.wait_dma2 semaphore(%run_scoped3A : memref<!tpu.dma_semaphore, #tpu.memory_space<semaphore_mem>>) src(%dma_wait3A_16 : memref<256x16xf32, #tpu.memory_space<vmem_shared>>) dst(%dma_wait3A_14 : memref<256x16xf32, #tpu.memory_space<hbm>>)
      tpu.yield
    }) : () -> ()
    return
  }
}

module attributes {stable_mosaic.version = 14 : i64} {
  func.func @_repack_body(%arg0: i32, %arg1: memref<12800x10xf32, #tpu.memory_space<vmem>>, %arg2: memref<12800x5xf32, #tpu.memory_space<vmem>>, %arg3: memref<1600x128xf32, #tpu.memory_space<vmem>>, %arg4: memref<1600x128xf32, #tpu.memory_space<vmem>>) attributes {dimension_semantics = [#tpu.dimension_semantics<arbitrary>], iteration_bounds = array<i64: 125>, scalar_prefetch = 0 : i64, scratch_operands = 0 : i64, tpu.core_type = #tpu.core_type<tc>, window_params = [{transform_indices = @transform_0, window_bounds = array<i64: 12800, 10>}, {transform_indices = @transform_1, window_bounds = array<i64: 12800, 5>}, {transform_indices = @transform_2, window_bounds = array<i64: 1600, 128>}, {transform_indices = @transform_3, window_bounds = array<i64: 1600, 128>}]} {
    %broadcast_in_dim3A = arith.constant 1.000000e+00 : f32
    %broadcast_in_dim3A_0 = vector.broadcast %broadcast_in_dim3A : f32 to vector<1600x1xf32>
    %get3A = arith.constant 0 : index
    %get3A_1 = arith.constant 0 : index
    %get3A_2 = vector.load %arg1[%get3A, %get3A_1] : memref<12800x10xf32, #tpu.memory_space<vmem>>, vector<1600x10xf32>
    %concatenate3A = tpu.concatenate %get3A_2, %broadcast_in_dim3A_0 in 1 : vector<1600x10xf32>, vector<1600x1xf32> -> vector<1600x11xf32>
    %swap3A = arith.constant 0 : index
    %swap3A_3 = arith.constant 0 : index
    %swap3A_4 = vector.load %arg3[%swap3A, %swap3A_3] : memref<1600x128xf32, #tpu.memory_space<vmem>>, vector<1600x11xf32>
    tpu.vector_store %arg3[%swap3A, %swap3A_3], %concatenate3A {strides = array<i32>} : memref<1600x128xf32, #tpu.memory_space<vmem>>, vector<1600x11xf32>,
    %get3A_5 = arith.constant 0 : index
    %get3A_6 = arith.constant 0 : index
    %get3A_7 = vector.load %arg2[%get3A_5, %get3A_6] : memref<12800x5xf32, #tpu.memory_space<vmem>>, vector<1600x5xf32>
    %concatenate3A_8 = tpu.concatenate %get3A_7, %broadcast_in_dim3A_0 in 1 : vector<1600x5xf32>, vector<1600x1xf32> -> vector<1600x6xf32>
    %swap3A_9 = arith.constant 0 : index
    %swap3A_10 = arith.constant 0 : index
    %swap3A_11 = vector.load %arg4[%swap3A_9, %swap3A_10] : memref<1600x128xf32, #tpu.memory_space<vmem>>, vector<1600x6xf32>
    tpu.vector_store %arg4[%swap3A_9, %swap3A_10], %concatenate3A_8 {strides = array<i32>} : memref<1600x128xf32, #tpu.memory_space<vmem>>, vector<1600x6xf32>,
    %get3A_12 = arith.constant 1600 : index
    %get3A_13 = arith.constant 0 : index
    %get3A_14 = vector.load %arg1[%get3A_12, %get3A_13] : memref<12800x10xf32, #tpu.memory_space<vmem>>, vector<1600x10xf32>
    %concatenate3A_15 = tpu.concatenate %get3A_14, %broadcast_in_dim3A_0 in 1 : vector<1600x10xf32>, vector<1600x1xf32> -> vector<1600x11xf32>
    %swap3A_16 = arith.constant 0 : index
    %swap3A_17 = arith.constant 16 : index
    %swap3A_18 = vector.load %arg3[%swap3A_16, %swap3A_17] : memref<1600x128xf32, #tpu.memory_space<vmem>>, vector<1600x11xf32>
    tpu.vector_store %arg3[%swap3A_16, %swap3A_17], %concatenate3A_15 {strides = array<i32>} : memref<1600x128xf32, #tpu.memory_space<vmem>>, vector<1600x11xf32>,
    %get3A_19 = arith.constant 1600 : index
    %get3A_20 = arith.constant 0 : index
    %get3A_21 = vector.load %arg2[%get3A_19, %get3A_20] : memref<12800x5xf32, #tpu.memory_space<vmem>>, vector<1600x5xf32>
    %concatenate3A_22 = tpu.concatenate %get3A_21, %broadcast_in_dim3A_0 in 1 : vector<1600x5xf32>, vector<1600x1xf32> -> vector<1600x6xf32>
    %swap3A_23 = arith.constant 0 : index
    %swap3A_24 = arith.constant 16 : index
    %swap3A_25 = vector.load %arg4[%swap3A_23, %swap3A_24] : memref<1600x128xf32, #tpu.memory_space<vmem>>, vector<1600x6xf32>
    tpu.vector_store %arg4[%swap3A_23, %swap3A_24], %concatenate3A_22 {strides = array<i32>} : memref<1600x128xf32, #tpu.memory_space<vmem>>, vector<1600x6xf32>,
    %get3A_26 = arith.constant 3200 : index
    %get3A_27 = arith.constant 0 : index
    %get3A_28 = vector.load %arg1[%get3A_26, %get3A_27] : memref<12800x10xf32, #tpu.memory_space<vmem>>, vector<1600x10xf32>
    %concatenate3A_29 = tpu.concatenate %get3A_28, %broadcast_in_dim3A_0 in 1 : vector<1600x10xf32>, vector<1600x1xf32> -> vector<1600x11xf32>
    %swap3A_30 = arith.constant 0 : index
    %swap3A_31 = arith.constant 32 : index
    %swap3A_32 = vector.load %arg3[%swap3A_30, %swap3A_31] : memref<1600x128xf32, #tpu.memory_space<vmem>>, vector<1600x11xf32>
    tpu.vector_store %arg3[%swap3A_30, %swap3A_31], %concatenate3A_29 {strides = array<i32>} : memref<1600x128xf32, #tpu.memory_space<vmem>>, vector<1600x11xf32>,
    %get3A_33 = arith.constant 3200 : index
    %get3A_34 = arith.constant 0 : index
    %get3A_35 = vector.load %arg2[%get3A_33, %get3A_34] : memref<12800x5xf32, #tpu.memory_space<vmem>>, vector<1600x5xf32>
    %concatenate3A_36 = tpu.concatenate %get3A_35, %broadcast_in_dim3A_0 in 1 : vector<1600x5xf32>, vector<1600x1xf32> -> vector<1600x6xf32>
    %swap3A_37 = arith.constant 0 : index
    %swap3A_38 = arith.constant 32 : index
    %swap3A_39 = vector.load %arg4[%swap3A_37, %swap3A_38] : memref<1600x128xf32, #tpu.memory_space<vmem>>, vector<1600x6xf32>
    tpu.vector_store %arg4[%swap3A_37, %swap3A_38], %concatenate3A_36 {strides = array<i32>} : memref<1600x128xf32, #tpu.memory_space<vmem>>, vector<1600x6xf32>,
    %get3A_40 = arith.constant 4800 : index
    %get3A_41 = arith.constant 0 : index
    %get3A_42 = vector.load %arg1[%get3A_40, %get3A_41] : memref<12800x10xf32, #tpu.memory_space<vmem>>, vector<1600x10xf32>
    %concatenate3A_43 = tpu.concatenate %get3A_42, %broadcast_in_dim3A_0 in 1 : vector<1600x10xf32>, vector<1600x1xf32> -> vector<1600x11xf32>
    %swap3A_44 = arith.constant 0 : index
    %swap3A_45 = arith.constant 48 : index
    %swap3A_46 = vector.load %arg3[%swap3A_44, %swap3A_45] : memref<1600x128xf32, #tpu.memory_space<vmem>>, vector<1600x11xf32>
    tpu.vector_store %arg3[%swap3A_44, %swap3A_45], %concatenate3A_43 {strides = array<i32>} : memref<1600x128xf32, #tpu.memory_space<vmem>>, vector<1600x11xf32>,
    %get3A_47 = arith.constant 4800 : index
    %get3A_48 = arith.constant 0 : index
    %get3A_49 = vector.load %arg2[%get3A_47, %get3A_48] : memref<12800x5xf32, #tpu.memory_space<vmem>>, vector<1600x5xf32>
    %concatenate3A_50 = tpu.concatenate %get3A_49, %broadcast_in_dim3A_0 in 1 : vector<1600x5xf32>, vector<1600x1xf32> -> vector<1600x6xf32>
    %swap3A_51 = arith.constant 0 : index
    %swap3A_52 = arith.constant 48 : index
    %swap3A_53 = vector.load %arg4[%swap3A_51, %swap3A_52] : memref<1600x128xf32, #tpu.memory_space<vmem>>, vector<1600x6xf32>
    tpu.vector_store %arg4[%swap3A_51, %swap3A_52], %concatenate3A_50 {strides = array<i32>} : memref<1600x128xf32, #tpu.memory_space<vmem>>, vector<1600x6xf32>,
    %get3A_54 = arith.constant 6400 : index
    %get3A_55 = arith.constant 0 : index
    %get3A_56 = vector.load %arg1[%get3A_54, %get3A_55] : memref<12800x10xf32, #tpu.memory_space<vmem>>, vector<1600x10xf32>
    %concatenate3A_57 = tpu.concatenate %get3A_56, %broadcast_in_dim3A_0 in 1 : vector<1600x10xf32>, vector<1600x1xf32> -> vector<1600x11xf32>
    %swap3A_58 = arith.constant 0 : index
    %swap3A_59 = arith.constant 64 : index
    %swap3A_60 = vector.load %arg3[%swap3A_58, %swap3A_59] : memref<1600x128xf32, #tpu.memory_space<vmem>>, vector<1600x11xf32>
    tpu.vector_store %arg3[%swap3A_58, %swap3A_59], %concatenate3A_57 {strides = array<i32>} : memref<1600x128xf32, #tpu.memory_space<vmem>>, vector<1600x11xf32>,
    %get3A_61 = arith.constant 6400 : index
    %get3A_62 = arith.constant 0 : index
    %get3A_63 = vector.load %arg2[%get3A_61, %get3A_62] : memref<12800x5xf32, #tpu.memory_space<vmem>>, vector<1600x5xf32>
    %concatenate3A_64 = tpu.concatenate %get3A_63, %broadcast_in_dim3A_0 in 1 : vector<1600x5xf32>, vector<1600x1xf32> -> vector<1600x6xf32>
    %swap3A_65 = arith.constant 0 : index
    %swap3A_66 = arith.constant 64 : index
    %swap3A_67 = vector.load %arg4[%swap3A_65, %swap3A_66] : memref<1600x128xf32, #tpu.memory_space<vmem>>, vector<1600x6xf32>
    tpu.vector_store %arg4[%swap3A_65, %swap3A_66], %concatenate3A_64 {strides = array<i32>} : memref<1600x128xf32, #tpu.memory_space<vmem>>, vector<1600x6xf32>,
    %get3A_68 = arith.constant 8000 : index
    %get3A_69 = arith.constant 0 : index
    %get3A_70 = vector.load %arg1[%get3A_68, %get3A_69] : memref<12800x10xf32, #tpu.memory_space<vmem>>, vector<1600x10xf32>
    %concatenate3A_71 = tpu.concatenate %get3A_70, %broadcast_in_dim3A_0 in 1 : vector<1600x10xf32>, vector<1600x1xf32> -> vector<1600x11xf32>
    %swap3A_72 = arith.constant 0 : index
    %swap3A_73 = arith.constant 80 : index
    %swap3A_74 = vector.load %arg3[%swap3A_72, %swap3A_73] : memref<1600x128xf32, #tpu.memory_space<vmem>>, vector<1600x11xf32>
    tpu.vector_store %arg3[%swap3A_72, %swap3A_73], %concatenate3A_71 {strides = array<i32>} : memref<1600x128xf32, #tpu.memory_space<vmem>>, vector<1600x11xf32>,
    %get3A_75 = arith.constant 8000 : index
    %get3A_76 = arith.constant 0 : index
    %get3A_77 = vector.load %arg2[%get3A_75, %get3A_76] : memref<12800x5xf32, #tpu.memory_space<vmem>>, vector<1600x5xf32>
    %concatenate3A_78 = tpu.concatenate %get3A_77, %broadcast_in_dim3A_0 in 1 : vector<1600x5xf32>, vector<1600x1xf32> -> vector<1600x6xf32>
    %swap3A_79 = arith.constant 0 : index
    %swap3A_80 = arith.constant 80 : index
    %swap3A_81 = vector.load %arg4[%swap3A_79, %swap3A_80] : memref<1600x128xf32, #tpu.memory_space<vmem>>, vector<1600x6xf32>
    tpu.vector_store %arg4[%swap3A_79, %swap3A_80], %concatenate3A_78 {strides = array<i32>} : memref<1600x128xf32, #tpu.memory_space<vmem>>, vector<1600x6xf32>,
    %get3A_82 = arith.constant 9600 : index
    %get3A_83 = arith.constant 0 : index
    %get3A_84 = vector.load %arg1[%get3A_82, %get3A_83] : memref<12800x10xf32, #tpu.memory_space<vmem>>, vector<1600x10xf32>
    %concatenate3A_85 = tpu.concatenate %get3A_84, %broadcast_in_dim3A_0 in 1 : vector<1600x10xf32>, vector<1600x1xf32> -> vector<1600x11xf32>
    %swap3A_86 = arith.constant 0 : index
    %swap3A_87 = arith.constant 96 : index
    %swap3A_88 = vector.load %arg3[%swap3A_86, %swap3A_87] : memref<1600x128xf32, #tpu.memory_space<vmem>>, vector<1600x11xf32>
    tpu.vector_store %arg3[%swap3A_86, %swap3A_87], %concatenate3A_85 {strides = array<i32>} : memref<1600x128xf32, #tpu.memory_space<vmem>>, vector<1600x11xf32>,
    %get3A_89 = arith.constant 9600 : index
    %get3A_90 = arith.constant 0 : index
    %get3A_91 = vector.load %arg2[%get3A_89, %get3A_90] : memref<12800x5xf32, #tpu.memory_space<vmem>>, vector<1600x5xf32>
    %concatenate3A_92 = tpu.concatenate %get3A_91, %broadcast_in_dim3A_0 in 1 : vector<1600x5xf32>, vector<1600x1xf32> -> vector<1600x6xf32>
    %swap3A_93 = arith.constant 0 : index
    %swap3A_94 = arith.constant 96 : index
    %swap3A_95 = vector.load %arg4[%swap3A_93, %swap3A_94] : memref<1600x128xf32, #tpu.memory_space<vmem>>, vector<1600x6xf32>
    tpu.vector_store %arg4[%swap3A_93, %swap3A_94], %concatenate3A_92 {strides = array<i32>} : memref<1600x128xf32, #tpu.memory_space<vmem>>, vector<1600x6xf32>,
    %get3A_96 = arith.constant 11200 : index
    %get3A_97 = arith.constant 0 : index
    %get3A_98 = vector.load %arg1[%get3A_96, %get3A_97] : memref<12800x10xf32, #tpu.memory_space<vmem>>, vector<1600x10xf32>
    %concatenate3A_99 = tpu.concatenate %get3A_98, %broadcast_in_dim3A_0 in 1 : vector<1600x10xf32>, vector<1600x1xf32> -> vector<1600x11xf32>
    %swap3A_100 = arith.constant 0 : index
    %swap3A_101 = arith.constant 112 : index
    %swap3A_102 = vector.load %arg3[%swap3A_100, %swap3A_101] : memref<1600x128xf32, #tpu.memory_space<vmem>>, vector<1600x11xf32>
    tpu.vector_store %arg3[%swap3A_100, %swap3A_101], %concatenate3A_99 {strides = array<i32>} : memref<1600x128xf32, #tpu.memory_space<vmem>>, vector<1600x11xf32>,
    %get3A_103 = arith.constant 11200 : index
    %get3A_104 = arith.constant 0 : index
    %get3A_105 = vector.load %arg2[%get3A_103, %get3A_104] : memref<12800x5xf32, #tpu.memory_space<vmem>>, vector<1600x5xf32>
    %concatenate3A_106 = tpu.concatenate %get3A_105, %broadcast_in_dim3A_0 in 1 : vector<1600x5xf32>, vector<1600x1xf32> -> vector<1600x6xf32>
    %swap3A_107 = arith.constant 0 : index
    %swap3A_108 = arith.constant 112 : index
    %swap3A_109 = vector.load %arg4[%swap3A_107, %swap3A_108] : memref<1600x128xf32, #tpu.memory_space<vmem>>, vector<1600x6xf32>
    tpu.vector_store %arg4[%swap3A_107, %swap3A_108], %concatenate3A_106 {strides = array<i32>} : memref<1600x128xf32, #tpu.memory_space<vmem>>, vector<1600x6xf32>,
    return
  }
  func.func @transform_0(%arg0: i32) -> (i32, i32) {
    %c0_i32 = arith.constant 0 : i32
    %c0_i32_0 = arith.constant 0 : i32
    return %arg0, %c0_i32 : i32, i32
  }
  func.func @transform_1(%arg0: i32) -> (i32, i32) {
    %c0_i32 = arith.constant 0 : i32
    %c0_i32_0 = arith.constant 0 : i32
    return %arg0, %c0_i32 : i32, i32
  }
  func.func @transform_2(%arg0: i32) -> (i32, i32) {
    %c0_i32 = arith.constant 0 : i32
    %c0_i32_0 = arith.constant 0 : i32
    return %arg0, %c0_i32 : i32, i32
  }
  func.func @transform_3(%arg0: i32) -> (i32, i32) {
    %c0_i32 = arith.constant 0 : i32
    %c0_i32_0 = arith.constant 0 : i32
    return %arg0, %c0_i32 : i32, i32
  }
}

module attributes {stable_mosaic.version = 14 : i64} {
  func.func @_mlp_body(%arg0: memref<2x4096x16xf32, #tpu.memory_space<vmem>>, %arg1: memref<2x4096x16xf32, #tpu.memory_space<vmem>>, %arg2: memref<4096x10xf32, #tpu.memory_space<vmem>>, %arg3: memref<10x10xf32, #tpu.memory_space<vmem>>, %arg4: memref<10x10xf32, #tpu.memory_space<vmem>>, %arg5: memref<5x10xf32, #tpu.memory_space<vmem>>, %arg6: memref<1x10xf32, #tpu.memory_space<vmem>>, %arg7: memref<10x10xf32, #tpu.memory_space<vmem>>, %arg8: memref<1x10xf32, #tpu.memory_space<vmem>>, %arg9: memref<4096x10xf32, #tpu.memory_space<vmem>>) attributes {dimension_semantics = [], scalar_prefetch = 0 : i64, scratch_operands = 0 : i64, tpu.core_type = #tpu.core_type<tc>} {
    %get3A = arith.constant 0 : index
    %get3A_0 = arith.constant 0 : index
    %get3A_1 = arith.constant 0 : index
    %get3A_2 = vector.load %arg0[%get3A, %get3A_0, %get3A_1] : memref<2x4096x16xf32, #tpu.memory_space<vmem>>, vector<1x4096x16xf32>
    %get3A_3 = vector.shape_cast %get3A_2 : vector<1x4096x16xf32> to vector<4096x16xf32>
    %get3A_4 = arith.constant 1 : index
    %get3A_5 = arith.constant 0 : index
    %get3A_6 = arith.constant 0 : index
    %get3A_7 = vector.load %arg0[%get3A_4, %get3A_5, %get3A_6] : memref<2x4096x16xf32, #tpu.memory_space<vmem>>, vector<1x4096x16xf32>
    %get3A_8 = vector.shape_cast %get3A_7 : vector<1x4096x16xf32> to vector<4096x16xf32>
    %add3A = arith.addf %get3A_3, %get3A_8 : vector<4096x16xf32>
    %get3A_9 = arith.constant 0 : index
    %get3A_10 = arith.constant 0 : index
    %get3A_11 = arith.constant 0 : index
    %get3A_12 = vector.load %arg1[%get3A_9, %get3A_10, %get3A_11] : memref<2x4096x16xf32, #tpu.memory_space<vmem>>, vector<1x4096x16xf32>
    %get3A_13 = vector.shape_cast %get3A_12 : vector<1x4096x16xf32> to vector<4096x16xf32>
    %get3A_14 = arith.constant 1 : index
    %get3A_15 = arith.constant 0 : index
    %get3A_16 = arith.constant 0 : index
    %get3A_17 = vector.load %arg1[%get3A_14, %get3A_15, %get3A_16] : memref<2x4096x16xf32, #tpu.memory_space<vmem>>, vector<1x4096x16xf32>
    %get3A_18 = vector.shape_cast %get3A_17 : vector<1x4096x16xf32> to vector<4096x16xf32>
    %add3A_19 = arith.addf %get3A_13, %get3A_18 : vector<4096x16xf32>
    %slice3A = vector.extract_strided_slice %add3A {offsets = [0, 0], sizes = [4096, 10], strides = [1, 1]} : vector<4096x16xf32> to vector<4096x10xf32>
    %slice3A_20 = vector.extract_strided_slice %add3A {offsets = [0, 10], sizes = [4096, 1], strides = [1, 1]} : vector<4096x16xf32> to vector<4096x1xf32>
    %max3A = arith.constant 1.000000e+00 : f32
    %max3A_21 = vector.broadcast %max3A : f32 to vector<4096x1xf32>
    %max3A_22 = arith.maximumf %slice3A_20, %max3A_21 : vector<4096x1xf32>
    %div3A = vector.broadcast %max3A_22 : vector<4096x1xf32> to vector<4096x10xf32>
    %div3A_23 = arith.divf %slice3A, %div3A : vector<4096x10xf32>
    %slice3A_24 = vector.extract_strided_slice %add3A_19 {offsets = [0, 0], sizes = [4096, 5], strides = [1, 1]} : vector<4096x16xf32> to vector<4096x5xf32>
    %slice3A_25 = vector.extract_strided_slice %add3A_19 {offsets = [0, 5], sizes = [4096, 1], strides = [1, 1]} : vector<4096x16xf32> to vector<4096x1xf32>
    %max3A_26 = arith.constant 1.000000e+00 : f32
    %max3A_27 = vector.broadcast %max3A_26 : f32 to vector<4096x1xf32>
    %max3A_28 = arith.maximumf %slice3A_25, %max3A_27 : vector<4096x1xf32>
    %div3A_29 = vector.broadcast %max3A_28 : vector<4096x1xf32> to vector<4096x5xf32>
    %div3A_30 = arith.divf %slice3A_24, %div3A_29 : vector<4096x5xf32>
    %get3A_31 = arith.constant 0 : index
    %get3A_32 = arith.constant 0 : index
    %get3A_33 = vector.load %arg2[%get3A_31, %get3A_32] : memref<4096x10xf32, #tpu.memory_space<vmem>>, vector<4096x10xf32>
    %get3A_34 = arith.constant 0 : index
    %get3A_35 = arith.constant 0 : index
    %get3A_36 = vector.load %arg3[%get3A_34, %get3A_35] : memref<10x10xf32, #tpu.memory_space<vmem>>, vector<10x10xf32>
    %dot_general3A = arith.constant dense<0.000000e+00> : vector<4096x10xf32>
    %dot_general3A_37 = tpu.matmul %get3A_33, %get3A_36, %dot_general3A {dimension_numbers = #tpu.dot_dimension_numbers<[1], [0], [0], [1], [0, 0, 1, 1], [], []>, transpose_lhs_hint = false} : vector<4096x10xf32>, vector<10x10xf32>, vector<4096x10xf32> -> vector<4096x10xf32>
    %get3A_38 = arith.constant 0 : index
    %get3A_39 = arith.constant 0 : index
    %get3A_40 = vector.load %arg4[%get3A_38, %get3A_39] : memref<10x10xf32, #tpu.memory_space<vmem>>, vector<10x10xf32>
    %dot_general3A_41 = arith.constant dense<0.000000e+00> : vector<4096x10xf32>
    %dot_general3A_42 = tpu.matmul %div3A_23, %get3A_40, %dot_general3A_41 {dimension_numbers = #tpu.dot_dimension_numbers<[1], [0], [0], [1], [0, 0, 1, 1], [], []>, transpose_lhs_hint = false} : vector<4096x10xf32>, vector<10x10xf32>, vector<4096x10xf32> -> vector<4096x10xf32>
    %add3A_43 = arith.addf %dot_general3A_37, %dot_general3A_42 : vector<4096x10xf32>
    %get3A_44 = arith.constant 0 : index
    %get3A_45 = arith.constant 0 : index
    %get3A_46 = vector.load %arg5[%get3A_44, %get3A_45] : memref<5x10xf32, #tpu.memory_space<vmem>>, vector<5x10xf32>
    %dot_general3A_47 = arith.constant dense<0.000000e+00> : vector<4096x10xf32>
    %dot_general3A_48 = tpu.matmul %div3A_30, %get3A_46, %dot_general3A_47 {dimension_numbers = #tpu.dot_dimension_numbers<[1], [0], [0], [1], [0, 0, 1, 1], [], []>, transpose_lhs_hint = false} : vector<4096x5xf32>, vector<5x10xf32>, vector<4096x10xf32> -> vector<4096x10xf32>
    %add3A_49 = arith.addf %add3A_43, %dot_general3A_48 : vector<4096x10xf32>
    %get3A_50 = arith.constant 0 : index
    %get3A_51 = arith.constant 0 : index
    %get3A_52 = vector.load %arg6[%get3A_50, %get3A_51] : memref<1x10xf32, #tpu.memory_space<vmem>>, vector<1x10xf32>
    %add3A_53 = vector.broadcast %get3A_52 : vector<1x10xf32> to vector<4096x10xf32>
    %add3A_54 = arith.addf %add3A_49, %add3A_53 : vector<4096x10xf32>
    %ge3A = arith.constant 0.000000e+00 : f32
    %ge3A_55 = vector.broadcast %ge3A : f32 to vector<4096x10xf32>
    %ge3A_56 = arith.cmpf oge, %add3A_54, %ge3A_55 : vector<4096x10xf32>
    %mul3A = arith.constant 1.000000e-01 : f32
    %mul3A_57 = vector.broadcast %mul3A : f32 to vector<4096x10xf32>
    %mul3A_58 = arith.mulf %mul3A_57, %add3A_54 : vector<4096x10xf32>
    %select_n3A = arith.select %ge3A_56, %add3A_54, %mul3A_58 : vector<4096x10xi1>, vector<4096x10xf32>
    %get3A_59 = arith.constant 0 : index
    %get3A_60 = arith.constant 0 : index
    %get3A_61 = vector.load %arg7[%get3A_59, %get3A_60] : memref<10x10xf32, #tpu.memory_space<vmem>>, vector<10x10xf32>
    %dot_general3A_62 = arith.constant dense<0.000000e+00> : vector<4096x10xf32>
    %dot_general3A_63 = tpu.matmul %select_n3A, %get3A_61, %dot_general3A_62 {dimension_numbers = #tpu.dot_dimension_numbers<[1], [0], [0], [1], [0, 0, 1, 1], [], []>, transpose_lhs_hint = false} : vector<4096x10xf32>, vector<10x10xf32>, vector<4096x10xf32> -> vector<4096x10xf32>
    %get3A_64 = arith.constant 0 : index
    %get3A_65 = arith.constant 0 : index
    %get3A_66 = vector.load %arg8[%get3A_64, %get3A_65] : memref<1x10xf32, #tpu.memory_space<vmem>>, vector<1x10xf32>
    %add3A_67 = vector.broadcast %get3A_66 : vector<1x10xf32> to vector<4096x10xf32>
    %add3A_68 = arith.addf %dot_general3A_63, %add3A_67 : vector<4096x10xf32>
    %swap3A = arith.constant 0 : index
    %swap3A_69 = arith.constant 0 : index
    %swap3A_70 = vector.load %arg9[%swap3A, %swap3A_69] : memref<4096x10xf32, #tpu.memory_space<vmem>>, vector<4096x10xf32>
    tpu.vector_store %arg9[%swap3A, %swap3A_69], %add3A_68 {strides = array<i32>} : memref<4096x10xf32, #tpu.memory_space<vmem>>, vector<4096x10xf32>,
    return
  }
}

</mosaic_0001>

<sc_bundles>
// kernel: kernel.5.cloned.1.call-start
scs
__scs_entry_jumppad:
0x0: {  	(pc) =	sbr.rel $0x88, $3  }
0x1: {  	(tag) =	ssettag $0x0;
	lr =	simm.s32 $0x1  }
0x2: {  	[smem:$0x3F98] =	sst lr;
	_ =	strace $0xD0000000  }
0x3: {  	_ = 	snop  }
0x4: {  	_ = 	snop  }
0x5: {  	_ = 	snop  }
0x6: {  	_ = 	snop  }
0x7: {  	_ = 	snop  }
__scs_overlays_trampoline_lowered:
0x8: {  	[smem:$0x3FA7] =	sst s0  }
0x9: {  	[smem:$0x3FA8] =	sst s1  }
0xa: {  	[smem:$0x3FA9] =	sst s2  }
0xb: {  	[smem:$0x3FAA] =	sst s3  }
0xc: {  	[smem:$0x3FAB] =	sst s4  }
0xd: {  	[smem:$0x3FAC] =	sst s5  }
0xe: {  	[smem:$0x3FAD] =	sst s6  }
0xf: {  	[smem:$0x3FAE] =	sst s7  }
0x10: {  	[smem:$0x3FAF] =	sst s8  }
0x11: {  	[smem:$0x3FB0] =	sst s9;
	s0 =	simm.s32 @!p0 $0x0  }
0x12: {  	s1 =	sld [smem:$0x3F96];
	s0 =	simm.s32 @p0 $0x1  }
0x13: {  	[smem:$0x3FB1] =	sst s0;
	s0 =	simm.s32 @!p1 $0x0  }
0x14: {  	s2 =	sld [smem:$0x3F95];
	s0 =	simm.s32 @p1 $0x1  }
0x15: {  	[smem:$0x3FB2] =	sst s0;
	s0 =	simm.s32 @!p2 $0x0  }
0x16: {  	s3 =	sld [smem:$0x3FDB];
	s0 =	simm.s32 @p2 $0x1  }
0x17: {  	s4 =	simm.s32 $0x1BF5;
	[smem:$0x3FB4] =	sst s0  }
0x18: {  	s0 =	sld [smem:$0x3F97];
	_ =	swait.ge [sflag:s4], $0x0  }
0x19: {  	s7 =	sld [smem:$0x3F98]  }
0x1a: {  	s8 =	sadd.s32 $0xFFFFE003, lr  }
0x1b: {  	s9 =	sadd.s32 $0xFFFFFEF7, lr;
	s5 =	simm.s32 $0xFFFFFFFF;
	p2 =	slt.u32 s8, $0xFFFFF086  }
0x1c: {  	p1 =	slt.u32 s9, $0xF7A;
	s5 =	simm.s32 @!p2 $0x0  }
0x1d: {  	s5 =	simm.s32 @p1 $0x1;
	p0 =	seq.s32 s7, s2  }
0x1e: {  	s7 =	smul.u32 @!p0 $0xF7A, s2;
	p2 =	seq.s32 @!p0 s5, $0x0  }
0x1f: {  	s9 =	smul.u32 $0xF7A, s1;
	s8 =	simm.s32 @!p0 $0x1BF5;
	p2 =	por !p2, p0  }
0x20: {  	[sflag:s8] =	ssyncset.s32 @!p0 $0xFFFFF086;
	s6 =	sadd.s32 @!p0 s3, s7;
	s7 =	simm.s32 @!p0 $0x108  }
0x21: {  	s3 =	sadd.s32 s3, s9;
	s6 =	sadd.s32 @!p0 $0x88, s6;
	s7 =	simm.s32 @p2 $0x1082  }
0x22: {  	[simem:s7], [sflag:s8] =	dma.local @!p0 [hbm:s6], $0xF7A  }
0x23: {  	s9 =	sor.u32 $0xD0000000, s2;
	s6 =	simm.s32 $0x108;
	_ =	swait.ge @!p0 [sflag:s8], $0x0  }
0x24: {  	s3 =	sadd.s32 $0x88, s3;
	s6 =	simm.s32 @!p1 $0x1082;
	[sflag:s4] =	ssyncset.s32 $0xFFFFF086  }
0x25: {  	[simem:s6], [sflag:s4] =	dma.local [hbm:s3], $0xF7A  }
0x26: {  	[smem:$0x3F98] =	sst s1;
	(tag) =	ssettag s2;
	_ =	strace s9  }
0x27: {  	s1 =	sld [smem:$0x3FA8]  }
0x28: {  	s2 =	sld [smem:$0x3FA9]  }
0x29: {  	s4 =	sld [smem:$0x3FAB]  }
0x2a: {  	p0 =	seq.s32 s5, $0x0;
	s5 =	sld [smem:$0x3FAC]  }
0x2b: {  	s6 =	sld [smem:$0x3FAD]  }
0x2c: {  	s7 =	sld [smem:$0x3FAE]  }
0x2d: {  	s3 =	simm.s32 $0x108;
	s8 =	sld [smem:$0x3FAF]  }
0x2e: {  	s3 =	simm.s32 @!p0 $0x1082;
	s9 =	sld [smem:$0x3FB0]  }
0x2f: {  	lr =	sadd.s32 s0, s3;
	s0 =	sld [smem:$0x3FA7]  }
0x30: {  	s3 =	sld [smem:$0x3FAA]  }
0x31: {  	[smem:$0x3FB3] =	sst s10  }
0x32: {  	s10 =	sld [smem:$0x3FB1];
	_ =	sdelay $0x3  }
0x33: {  	p0 =	seq.s32 s10, $0x1;
	s10 =	sld [smem:$0x3FB3];
	_ =	sdelay $0x3  }
0x34: {  	[smem:$0x3FB3] =	sst s10  }
0x35: {  	s10 =	sld [smem:$0x3FB2];
	_ =	sdelay $0x3  }
0x36: {  	p1 =	seq.s32 s10, $0x1;
	s10 =	sld [smem:$0x3FB3];
	_ =	sdelay $0x3  }
0x37: {  	[smem:$0x3FB3] =	sst s10  }
0x38: {  	s10 =	sld [smem:$0x3FB4]  }
0x39: {  	_ = 	snop;
	(pc) =	sbr.ind lr, $3  }
0x3a: {  	_ = 	snop  }
0x3b: {  	_ = 	snop  }
0x3c: {  	p2 =	seq.s32 s10, $0x1;
	s10 =	sld [smem:$0x3FB3]  }
0x3d: {  	_ =	shalt  }
0x3e: {  	_ =	shalt  }
0x3f: {  	_ =	shalt  }
0x40: {  	_ =	shalt  }
0x41: {  	_ =	shalt  }
0x42: {  	_ =	shalt  }
0x43: {  	_ =	shalt  }
0x44: {  	_ =	shalt  }
0x45: {  	_ =	shalt  }
0x46: {  	_ =	shalt  }
0x47: {  	_ =	shalt  }
0x48: {  	_ =	shalt  }
0x49: {  	_ =	shalt  }
0x4a: {  	_ =	shalt  }
0x4b: {  	_ =	shalt  }
0x4c: {  	_ =	shalt  }
0x4d: {  	_ =	shalt  }
0x4e: {  	_ =	shalt  }
0x4f: {  	_ =	shalt  }
0x50: {  	_ =	shalt  }
0x51: {  	_ =	shalt  }
0x52: {  	_ =	shalt  }
0x53: {  	_ =	shalt  }
0x54: {  	_ =	shalt  }
0x55: {  	_ =	shalt  }
0x56: {  	_ =	shalt  }
0x57: {  	_ =	shalt  }
0x58: {  	_ =	shalt  }
0x59: {  	_ =	shalt  }
0x5a: {  	_ =	shalt  }
0x5b: {  	_ =	shalt  }
0x5c: {  	_ =	shalt  }
0x5d: {  	_ =	shalt  }
0x5e: {  	_ =	shalt  }
0x5f: {  	_ =	shalt  }
0x60: {  	_ =	shalt  }
0x61: {  	_ =	shalt  }
0x62: {  	_ =	shalt  }
0x63: {  	_ =	shalt  }
0x64: {  	_ =	shalt  }
0x65: {  	_ =	shalt  }
0x66: {  	_ =	shalt  }
0x67: {  	_ =	shalt  }
0x68: {  	_ =	shalt  }
0x69: {  	_ =	shalt  }
0x6a: {  	_ =	shalt  }
0x6b: {  	_ =	shalt  }
0x6c: {  	_ =	shalt  }
0x6d: {  	_ =	shalt  }
0x6e: {  	_ =	shalt  }
0x6f: {  	_ =	shalt  }
0x70: {  	_ =	shalt  }
0x71: {  	_ =	shalt  }
0x72: {  	_ =	shalt  }
0x73: {  	_ =	shalt  }
0x74: {  	_ =	shalt  }
0x75: {  	_ =	shalt  }
0x76: {  	_ =	shalt  }
0x77: {  	_ =	shalt  }
0x78: {  	_ =	shalt  }
0x79: {  	_ =	shalt  }
0x7a: {  	_ =	shalt  }
0x7b: {  	_ =	shalt  }
0x7c: {  	_ =	shalt  }
0x7d: {  	_ =	shalt  }
0x7e: {  	_ =	shalt  }
0x7f: {  	_ =	shalt  }
0x80: {  	_ =	shalt  }
0x81: {  	_ =	shalt  }
0x82: {  	_ =	shalt  }
0x83: {  	_ =	shalt  }
0x84: {  	_ =	shalt  }
0x85: {  	_ =	shalt  }
0x86: {  	_ =	shalt  }
0x87: {  	_ =	shalt  }
.Lfunc_end0:
.L_simem_size_0:
called_computation_lowered:
.L_overlay_start_0:
0x88: {  	s2 =	sld [smem:$0x3FD9]  }
0x89: {  	s3 =	sld [smem:$0x3FFE];
	_ =	sdelay $0x1  }
0x8a: {  	s1 =	srdreg.scid  }
0x8b: {  	s0 =	sand.u32 $0x1, s1  }
0x8c: {  	s17 =	sshll.u32 s0, $0xA;
	s2 =	sadd.s32 s3, s2  }
0x8d: {  	s2 =	sadd.s32 s2, s17  }
0x8e: {  	[smem:$0x3FBF] =	sst s2  }
0x8f: {  	_ = 	snop  }
0x90: {  	s2 =	sld [smem:$0x3FD0];
	(tm) =	ssettm $0x1  }
0x91: {  	s18 =	sld [smem:$0x3FFB];
	_ =	sdelay $0x3  }
0x92: {  	_ =	strace s18  }
0x93: {  	s3 =	sld [smem:$0x3FFC];
	_ =	sdelay $0x3  }
0x94: {  	_ =	strace s3  }
0x95: {  	s3 =	sld [smem:$0x3FFD];
	_ =	sdelay $0x3  }
0x96: {  	_ =	strace s3  }
0x97: {  	_ =	strace $0x8FFFFFFF  }
0x98: {  	s19 =	sld [smem:$0x3FDB];
	_ =	sdelay $0x1  }
0x99: {  	s4 =	simm.s32 $_scs_section_size  }
0x9a: {  	s5 =	simm.s32 $_size__tile_overlayer_lowered;
	s6 =	simm.s32 $_tile_overlayer_lowered  }
0x9b: {  	s22 =	simm.s32 $0x1BFF;
	s21 =	sshll.u32 s6, $0x1;
	s3 =	sadd.s32 s4, s19  }
0x9c: {  	s7 =	simm.s32 $0x0;
	s20 =	sshll.u32 s5, $0x1;
	s5 =	sadd.s32 s21, s3  }
0x9d: {  	[timem:s7], [sflag:s22] =	dma.local [hbm:s5], s20  }
0x9e: {  	_ =	swait.ge [sflag:s22], s20  }
0x9f: {  	s4 =	ssub.s32 $0x0, s20;
	[sflag:s22] =	ssyncset.done $0x0  }
0xa0: {  	[sflag:s22] =	ssyncadd.s32 s4;
	_ =	sdelay $0x1  }
0xa1: {  	s23 =	simm.s32 $0x1B8B  }
0xa2: {  	_ =	swait.ge [sflag:s23], $0x1  }
0xa3: {  	[sflag:s23] =	ssyncset.done $0x0  }
0xa4: {  	s25 =	simm.s32 $0x1B8E;
	s24 =	sld [smem:$0x3FFE];
	[sflag:s23] =	ssyncadd.s32 $0xFFFFFFFF  }
0xa5: {  	s26 =	simm.s32 $execute0_lowered;
	[smem:$0x3FD2] =	sst s25  }
0xa6: {  	s5 =	sshll.u32 s26, $0x1;
	_ =	strace $0x80000046;
	[dreg:$0x1] =	wrdreg $0xFFFFFFFF  }
0xa7: {  	s28 =	simm.s32 $_size_execute0_lowered;
	s3 =	sadd.s32 s3, s5;
	[dreg:$0x0] =	wrdreg $0x0  }
0xa8: {  	s5 =	sshll.u32 s28, $0x1;
	[dreg:$0x2] =	wrdreg s3  }
0xa9: {  	[dreg:$0x3] =	wrdreg s5  }
0xaa: {  	[dreg:$0x4] =	wrdreg $0xC0  }
0xab: {  	_ =	task [dreg:s7], $0x5FFFF  }
0xac: {  	[dreg:$0x1] =	wrdreg $0xFFFFFFFF  }
0xad: {  	[dreg:$0x0] =	wrdreg $0x60  }
0xae: {  	[dreg:$0x2] =	wrdreg s24  }
0xaf: {  	[dreg:$0x3] =	wrdreg s2  }
0xb0: {  	[dreg:$0x4] =	wrdreg $0x84000  }
0xb1: {  	[dreg:$0x5] =	wrdreg $0x94000  }
0xb2: {  	[dreg:$0x6] =	wrdreg $0x9  }
0xb3: {  	_ =	task.clear_ibuf [dreg:s7], $0x7FFFF;
	_ =	strace $0x90000046  }
0xb4: {  	s29 =	simm.s32 $0x9;
	_ =	strace $0x80000048  }
0xb5: {  	_ =	swait.ge [sflag:s29], $0x1  }
0xb6: {  	[sflag:s29] =	ssyncadd.s32 $0xFFFFFFFF  }
0xb7: {  	_ =	strace $0x90000048  }
0xb8: {  	_ =	sfence  }
0xb9: {  	s30 =	sld [smem:$0x0];
	_ =	sdelay $0x2  }
0xba: {  	s31 =	sshll.u32 s1, $0xD;
	s1 =	sshrl.u32 s1, $0x2  }
0xbb: {  	s3 =	sand.u32 $0x4000, s31;
	s1 =	sadd.s32 s1, s30  }
0xbc: {  	s0 =	sor.u32 s3, s0;
	s1 =	sshll.u32 s1, $0x11  }
0xbd: {  	s0 =	sor.u32 s1, s0  }
0xbe: {  	s0 =	sadd.s32 $0x8F2B, s0  }
0xbf: {  	[sflag:s0] =	ssyncadd.remote.s32 $0x1  }
0xc0: {  	_ =	sfence.sel $0xFFFF  }
0xc1: {  	[dreg:$0x0] =	wrdreg $0xFFFFFFFF;
	(pc) =	sbr.abs _section_cstart, $3  }
0xc2: {  	[dreg:$0x1] =	wrdreg $0xFFFFFFFF  }
0xc3: {  	_ =	task.clear_ibuf [dreg:s7], $0x2FFFF;
	_ =	strace $0x9FFFFFFF  }
0xc4: {  	(tm) =	ssettm $0x7FFFFFFF  }
0xc5: {  	_ =	shalt  }
tec
execute0_lowered:
.L_overlay_start_1:
0x0: {  	(tag) =	ssettag $0x1  }
0x1: {  	s0 =	rddreg [dreg:$0x0]  }
0x2: {  	s3 =	rddreg [dreg:$0x1]  }
0x3: {  	s1 =	rddreg [dreg:$0x2]  }
0x4: {  	s2 =	rddreg [dreg:$0x3]  }
0x5: {  	s15 =	simm.s32 $0x0;
	s4 =	srdreg.scid;
	s13 =	stileid.u32  }
0x6: {  	s16 =	simm.s32 $0x1;
	s28 =	simm.s32 $0x8280;
	s29 =	simm.s32 $0x6800  }
0x7: {  	s30 =	simm.s32 $0x8100;
	s31 =	simm.s32 $0x5000;
	s14 =	simm.s32 $0x8380  }
0x8: {  	[smem:$0x7FF] =	sst s15;
	s5 =	sadd.s32 $0x30D6000, s0;
	s4 =	sand.u32 $0x1, s4  }
0x9: {  	s6 =	sadd.s32 $0x3445000, s0;
	s9 =	sshll.u32 s13, $0xC;
	s7 =	sadd.s32 $0x3414200, s0  }
0xa: {  	s18 =	sshll.u32 s13, $0x1;
	s19 =	sshll.u32 s13, $0x9;
	s20 =	sshll.u32 s13, $0x6  }
0xb: {  	s13 =	simm.s32 $0x5800;
	_ =	strace $0x80000047;
	s8 =	sshll.u32 s4, $0x10  }
0xc: {  	s11 =	ssub.s32 $0x2, s4;
	s4 =	sor.u32 s4, s18;
	s21 =	sadd.s32 s9, s1  }
0xd: {  	s3 =	sadd.s32 s3, s19;
	s23 =	sor.u32 $0x1C01, s20;
	s22 =	sadd.s32 s9, s2  }
0xe: {  	s18 =	simm.s32 $0x2;
	s20 =	simm.s32 $0x8000;
	s19 =	simm.s32 $0x0  }
0xf: {  	s10 =	sor.u32 s9, s8;
	s8 =	sadd.s32 $0x33E3400, s0;
	s12 =	sshrl.u32 s11, $0x1  }
0x10: {  	[dreg:$0x6] =	wrdreg s3;
	s24 =	sshrl.u32 s21, $0x3;
	s21 =	simm.s32 $0x8200  }
0x11: {  	s9 =	simm.s32 $0x7800;
	s10 =	sshrl.u32 s10, $0x3;
	s17 =	ssub.s32 s11, s12  }
.Ltmp0:
0x12: {  	s0 =	sadd.s32 s10, s0;
	s26 =	smax.u32 s17, $0x1;
	(pc) =	sbr.rel .LBB2_1-.Ltmp0, $4  }
0x13: {  	s11 =	smul.u32 $0x188, s4;
	s25 =	sadd.s32 $0x6000, s0;
	[dreg:$0x9] =	wrdreg s26  }
0x14: {  	s4 =	simm.s32 $0x7000;
	s0 =	sadd.s32 $0x2000, s0;
	[dreg:$0x7] =	wrdreg s25  }
0x15: {  	s12 =	simm.s32 $0x8180;
	s26 =	simm.s32 $0x4800;
	[dreg:$0x8] =	wrdreg s0  }
0x16: {  	s25 =	sshrl.u32 s22, $0x3;
	s22 =	simm.s32 $0x80;
	s0 =	simm.s32 $0x8300  }
.LBB2_7:
0x17: {  	[bflag:$0x0] =	sbarrier.arrive $0xFFFF  }
0x18: {  	s3 =	rddreg [dreg:$0x7]  }
0x19: {  	[hbm:s3], [sflag:s23] =	dma.local [spmem:s24], $0x200  }
0x1a: {  	_ =	swait.ge [sflag:s16], $0x200  }
0x1b: {  	[sflag:s16] =	ssyncset.done $0x0  }
0x1c: {  	s15 =	rddreg [dreg:$0x8];
	[sflag:s16] =	ssyncadd.s32 $0xFFFFFE00  }
0x1d: {  	[hbm:s15], [sflag:s23] =	dma.local [spmem:s25], $0x200  }
0x1e: {  	_ =	swait.ge [sflag:s16], $0x200  }
0x1f: {  	s15 =	rddreg [dreg:$0x5]  }
0x20: {  	s17 =	rddreg [dreg:$0x9];
	s15 =	sadd.s32 $0x1, s15  }
0x21: {  	p0 =	sne.s32 s15, s17  }
.Ltmp1:
0x22: {  	_ = 	snop;
	(pc) =	sbr.rel @!p0 .LBB2_8-.Ltmp1, $3  }
0x23: {  	_ =	sdelay $0x1  }
0x24: {  	[sflag:s16] =	ssyncset.done $0x0  }
0x25: {  	[sflag:s16] =	ssyncadd.s32 $0xFFFFFE00  }
.LBB2_1:
0x26: {  	[dreg:$0x5] =	wrdreg s15  }
0x27: {  	s3 =	rddreg [dreg:$0x6]  }
0x28: {  	[spmem:s24], [sflag:s23] =	dma.local [hbm:s3], $0x200  }
0x29: {  	_ =	swait.ge [sflag:s16], $0x200  }
0x2a: {  	[sflag:s16] =	ssyncset.done $0x0  }
0x2b: {  	[sflag:s16] =	ssyncadd.s32 $0xFFFFFE00  }
0x2c: {  	[spmem:s25], [sflag:s23] =	dma.local [hbm:s3], $0x200  }
.Ltmp2:
0x2d: {  	_ =	swait.ge [sflag:s16], $0x200;
	(pc) =	sbr.rel .LBB2_2-.Ltmp2, $4  }
0x2e: {  	[sflag:s16] =	ssyncset.done $0x0  }
0x2f: {  	[sflag:s16] =	ssyncadd.s32 $0xFFFFFE00  }
0x30: {  	[bflag:$0x0] =	sbarrier.arrive $0xFFFF  }
0x31: {  	s15 =	simm.s32 $0x0  }
.LBB2_6:
0x32: {  	s15 =	sadd.s32 $0x1, s15  }
0x33: {  	p0 =	sne.s32 s15, $0x62  }
.Ltmp3:
0x34: {  	_ = 	snop;
	(pc) =	sbr.rel @!p0 .LBB2_7-.Ltmp3, $1  }
0x35: {  	_ =	sdelay $0x3  }
.LBB2_2:
0x36: {  	s3 =	sshll.u32 s15, $0x2  }
0x37: {  	s3 =	sadd.s32 s11, s3  }
0x38: {  	p0 =	sgt.u32 s3, $0x30D0  }
.Ltmp4:
0x39: {  	_ = 	snop;
	(pc) =	sbr.rel @p0 .LBB2_6-.Ltmp4, $1  }
0x3a: {  	_ =	sdelay $0x3  }
0x3b: {  	s10 =	sshll.u32 s3, $0x8  }
0x3c: {  	s17 =	sadd.s32 s5, s10  }
0x3d: {  	[tilespmem:s19], [sflag:$0x2] =	stream.linear.gather [hbm4b:s17+s19], $0x2000, $0x38;
	[tilespmem:$0xA400] =	vst v63  }
0x3e: {  	_ =	swait.ge [sflag:s18], $0x2000  }
0x3f: {  	[sflag:s18] =	ssyncset.done $0x0  }
0x40: {  	s10 =	sadd.s32 s6, s10;
	s17 =	simm.s32 $0x2000;
	[sflag:s18] =	ssyncadd.s32 $0xFFFFE000  }
0x41: {  	[tilespmem:s17], [sflag:$0x2] =	stream.linear.gather [hbm4b:s10+s19], $0x2000, $0x38;
	[tilespmem:$0xA400] =	vst v63  }
0x42: {  	_ =	swait.ge [sflag:s18], $0x2000  }
0x43: {  	s3 =	sshll.u32 s3, $0x4;
	[sflag:s18] =	ssyncset.done $0x0  }
0x44: {  	s17 =	sadd.s32 s7, s3;
	[sflag:s18] =	ssyncadd.s32 $0xFFFFE000  }
0x45: {  	[tilespmem:s20], [sflag:$0x2] =	stream.linear.gather [hbm4b:s17+s19], $0x200, $0x38;
	[tilespmem:$0xA400] =	vst v63  }
0x46: {  	_ =	swait.ge [sflag:s18], $0x200  }
0x47: {  	[sflag:s18] =	ssyncset.done $0x0  }
0x48: {  	s3 =	sadd.s32 s8, s3;
	[sflag:s18] =	ssyncadd.s32 $0xFFFFFE00  }
0x49: {  	[tilespmem:s21], [sflag:$0x2] =	stream.linear.gather [hbm4b:s3+s19], $0x200, $0x38;
	[tilespmem:$0xA400] =	vst v63  }
0x4a: {  	_ =	swait.ge [sflag:s18], $0x200  }
0x4b: {  	[sflag:s18] =	ssyncset.done $0x0  }
0x4c: {  	s17 =	simm.s32 $0x0;
	[sflag:s18] =	ssyncadd.s32 $0xFFFFFE00  }
0x4d: {  	v0 =	vld [tilespmem:s17+$0x2070]  }
0x4e: {  	v1 =	vld [tilespmem:s17+$0x0]  }
0x4f: {  	v2 =	vld [tilespmem:s17+$0x2000]  }
0x50: {  	v3 =	vld [tilespmem:s17+$0x10]  }
0x51: {  	v4 =	vld [tilespmem:s17+$0x2010]  }
0x52: {  	v5 =	vld [tilespmem:s17+$0x20];
	[tilespmem:s17+$0x6070] =	vst v0  }
0x53: {  	[tilespmem:s17+$0x4000] =	vst v1;
	v0 =	vld [tilespmem:s17+$0x2020]  }
0x54: {  	[tilespmem:s17+$0x6000] =	vst v2;
	v1 =	vld [tilespmem:s17+$0x30]  }
0x55: {  	[tilespmem:s17+$0x4010] =	vst v3;
	v2 =	vld [tilespmem:s17+$0x2030]  }
0x56: {  	[tilespmem:s17+$0x6010] =	vst v4;
	v3 =	vld [tilespmem:s17+$0x40]  }
0x57: {  	[tilespmem:s17+$0x4020] =	vst v5;
	v4 =	vld [tilespmem:s17+$0x2040]  }
0x58: {  	[tilespmem:s17+$0x6020] =	vst v0;
	v0 =	vld [tilespmem:s17+$0x50]  }
0x59: {  	[tilespmem:s17+$0x4030] =	vst v1;
	v1 =	vld [tilespmem:s17+$0x2050]  }
0x5a: {  	[tilespmem:s17+$0x6030] =	vst v2;
	v2 =	vld [tilespmem:s17+$0x60]  }
0x5b: {  	[tilespmem:s17+$0x4040] =	vst v3;
	v3 =	vld [tilespmem:s17+$0x2060]  }
0x5c: {  	s10 =	simm.s32 $0x80;
	s3 =	simm.s32 $0x400;
	[tilespmem:s17+$0x6040] =	vst v4;
	v4 =	vld [tilespmem:s17+$0x70]  }
.LBB2_4:
0x5d: {  	p0 =	sne.s32 s3, $0x7E00;
	v5 =	vld [tilespmem:s10+$0x2070];
	[tilespmem:s17+$0x4050] =	vst v0  }
0x5e: {  	v0 =	vld [tilespmem:s10+$0x0];
	[tilespmem:s17+$0x6050] =	vst v1  }
0x5f: {  	v1 =	vld [tilespmem:s10+$0x2000];
	[tilespmem:s17+$0x4060] =	vst v2  }
0x60: {  	v2 =	vld [tilespmem:s10+$0x10];
	[tilespmem:s17+$0x6060] =	vst v3  }
0x61: {  	v3 =	vld [tilespmem:s10+$0x2010];
	[tilespmem:s17+$0x4070] =	vst v4;
	s17 =	smov.u32 s10  }
0x62: {  	v4 =	vld [tilespmem:s17+$0x20];
	[tilespmem:s17+$0x6070] =	vst v5  }
0x63: {  	[tilespmem:s17+$0x4000] =	vst v0;
	v0 =	vld [tilespmem:s17+$0x2020]  }
0x64: {  	[tilespmem:s17+$0x6000] =	vst v1;
	v1 =	vld [tilespmem:s17+$0x30]  }
0x65: {  	[tilespmem:s17+$0x4010] =	vst v2;
	v2 =	vld [tilespmem:s17+$0x2030]  }
0x66: {  	[tilespmem:s17+$0x6010] =	vst v3;
	v3 =	vld [tilespmem:s17+$0x40]  }
0x67: {  	[tilespmem:s17+$0x4020] =	vst v4;
	v4 =	vld [tilespmem:s17+$0x2040]  }
.Ltmp5:
0x68: {  	[tilespmem:s17+$0x6020] =	vst v0;
	v0 =	vld [tilespmem:s17+$0x50];
	(pc) =	sbr.rel @p0 .LBB2_4-.Ltmp5, $4  }
0x69: {  	[tilespmem:s17+$0x4030] =	vst v1;
	v1 =	vld [tilespmem:s17+$0x2050]  }
0x6a: {  	[tilespmem:s17+$0x6030] =	vst v2;
	v2 =	vld [tilespmem:s17+$0x60]  }
0x6b: {  	[tilespmem:s17+$0x4040] =	vst v3;
	v3 =	vld [tilespmem:s17+$0x2060]  }
0x6c: {  	s10 =	sshra.s32 s3, $0x2;
	s3 =	sadd.s32 $0x200, s3;
	[tilespmem:s17+$0x6040] =	vst v4;
	v4 =	vld [tilespmem:s17+$0x70]  }
0x6d: {  	v5 =	vld [tilespmem:s10+$0x2070];
	[tilespmem:s17+$0x4050] =	vst v0  }
0x6e: {  	v0 =	vld [tilespmem:s10+$0x0];
	[tilespmem:s17+$0x6050] =	vst v1  }
0x6f: {  	v1 =	vld [tilespmem:s10+$0x2000];
	[tilespmem:s17+$0x4060] =	vst v2  }
0x70: {  	v2 =	vld [tilespmem:s10+$0x10];
	[tilespmem:s17+$0x6060] =	vst v3  }
0x71: {  	v3 =	vld [tilespmem:s10+$0x2010];
	[tilespmem:s17+$0x4070] =	vst v4  }
0x72: {  	v4 =	vld [tilespmem:s10+$0x20];
	[tilespmem:s10+$0x6070] =	vst v5  }
0x73: {  	v54 =	vld [tilespmem:s10+$0x2020];
	[tilespmem:s10+$0x4000] =	vst v0  }
0x74: {  	v55 =	vld [tilespmem:s10+$0x30];
	[tilespmem:s10+$0x6000] =	vst v1  }
0x75: {  	v56 =	vld [tilespmem:s10+$0x2030];
	[tilespmem:s10+$0x4010] =	vst v2  }
0x76: {  	v57 =	vld [tilespmem:s10+$0x40];
	[tilespmem:s10+$0x6010] =	vst v3  }
0x77: {  	v58 =	vld [tilespmem:s10+$0x2040];
	[tilespmem:s10+$0x4020] =	vst v4  }
0x78: {  	v59 =	vld [tilespmem:s10+$0x50];
	[tilespmem:s10+$0x6020] =	vst v54  }
0x79: {  	v60 =	vld [tilespmem:s10+$0x2050];
	[tilespmem:s10+$0x4030] =	vst v55  }
0x7a: {  	v61 =	vld [tilespmem:s10+$0x60];
	[tilespmem:s10+$0x6030] =	vst v56  }
0x7b: {  	v62 =	vld [tilespmem:s10+$0x2060];
	[tilespmem:s10+$0x4040] =	vst v57  }
0x7c: {  	v63 =	vld [tilespmem:s10+$0x70];
	[tilespmem:s10+$0x6040] =	vst v58  }
0x7d: {  	[tilespmem:s10+$0x4050] =	vst v59  }
0x7e: {  	[tilespmem:s10+$0x6050] =	vst v60  }
0x7f: {  	[tilespmem:s10+$0x4060] =	vst v61  }
0x80: {  	[tilespmem:s10+$0x6060] =	vst v62  }
0x81: {  	s3 =	simm.s32 $0x4000;
	[tilespmem:s10+$0x4070] =	vst v63  }
0x82: {  	[spmem:s1] =	stream.indirect.scatter.add.f32 [tilespmem:s3], [sflag:$0x2], $0x10, s20, s22, $0xb8;
	[tilespmem:$0xA400] =	vst v63  }
0x83: {  	_ =	swait.ge [sflag:s18], $0x800  }
0x84: {  	[sflag:s18] =	ssyncset.done $0x0  }
0x85: {  	s10 =	simm.s32 $0x6000;
	[sflag:s18] =	ssyncadd.s32 $0xFFFFF800  }
0x86: {  	[spmem:s2] =	stream.indirect.scatter.add.f32 [tilespmem:s10], [sflag:$0x2], $0x10, s21, s22, $0xb8;
	[tilespmem:$0xA400] =	vst v63  }
0x87: {  	_ =	swait.ge [sflag:s18], $0x800  }
0x88: {  	[sflag:s18] =	ssyncset.done $0x0  }
0x89: {  	s17 =	simm.s32 $0x8080;
	[sflag:s18] =	ssyncadd.s32 $0xFFFFF800  }
0x8a: {  	[spmem:s1] =	stream.indirect.scatter.add.f32 [tilespmem:s26], [sflag:$0x2], $0x10, s17, s22, $0xb8;
	[tilespmem:$0xA400] =	vst v63  }
0x8b: {  	_ =	swait.ge [sflag:s18], $0x800  }
0x8c: {  	[sflag:s18] =	ssyncset.done $0x0  }
0x8d: {  	[sflag:s18] =	ssyncadd.s32 $0xFFFFF800  }
0x8e: {  	[spmem:s2] =	stream.indirect.scatter.add.f32 [tilespmem:s29], [sflag:$0x2], $0x10, s28, s22, $0xb8;
	[tilespmem:$0xA400] =	vst v63  }
0x8f: {  	_ =	swait.ge [sflag:s18], $0x800  }
0x90: {  	[sflag:s18] =	ssyncset.done $0x0  }
0x91: {  	[sflag:s18] =	ssyncadd.s32 $0xFFFFF800  }
0x92: {  	[spmem:s1] =	stream.indirect.scatter.add.f32 [tilespmem:s31], [sflag:$0x2], $0x10, s30, s22, $0xb8;
	[tilespmem:$0xA400] =	vst v63  }
0x93: {  	_ =	swait.ge [sflag:s18], $0x800  }
0x94: {  	[sflag:s18] =	ssyncset.done $0x0  }
0x95: {  	[sflag:s18] =	ssyncadd.s32 $0xFFFFF800  }
0x96: {  	[spmem:s2] =	stream.indirect.scatter.add.f32 [tilespmem:s4], [sflag:$0x2], $0x10, s0, s22, $0xb8;
	[tilespmem:$0xA400] =	vst v63  }
0x97: {  	_ =	swait.ge [sflag:s18], $0x800  }
0x98: {  	[sflag:s18] =	ssyncset.done $0x0  }
0x99: {  	[sflag:s18] =	ssyncadd.s32 $0xFFFFF800  }
0x9a: {  	[spmem:s1] =	stream.indirect.scatter.add.f32 [tilespmem:s13], [sflag:$0x2], $0x10, s12, s22, $0xb8;
	[tilespmem:$0xA400] =	vst v63  }
0x9b: {  	_ =	swait.ge [sflag:s18], $0x800  }
0x9c: {  	[sflag:s18] =	ssyncset.done $0x0  }
.Ltmp6:
0x9d: {  	[sflag:s18] =	ssyncadd.s32 $0xFFFFF800;
	(pc) =	sbr.rel .LBB2_6-.Ltmp6, $4  }
0x9e: {  	[spmem:s2] =	stream.indirect.scatter.add.f32 [tilespmem:s9], [sflag:$0x1], $0x10, s14, s22, $0xb8;
	[tilespmem:$0xA400] =	vst v63  }
0x9f: {  	_ =	swait.ge [sflag:s16], $0x800  }
0xa0: {  	[sflag:s16] =	ssyncset.done $0x0  }
0xa1: {  	[sflag:s16] =	ssyncadd.s32 $0xFFFFF800  }
.LBB2_8:
0xa2: {  	_ =	sfence.sel $0x180000  }
0xa3: {  	[bflag:$0x0] =	sbarrier.arrive $0xFFFF  }
0xa4: {  	_ =	strace $0x90000047  }
0xa5: {  	s0 =	stileid.u32;
	[bflag:$0x2] =	sbarrier.arrive $0xFFFF  }
0xa6: {  	p0 =	sne.s32 s0, $0x0;
	s0 =	rddreg [dreg:$0x4]  }
0xa7: {  	s0 =	sadd.s32 @!p0 $0x100000, s0  }
0xa8: {  	[sflag:s0] =	ssyncadd.tile.s32 @!p0 $0x1;
	_ =	shalt  }
.Lfunc_end2:
_tile_overlayer_lowered:
.L_overlay_start_2:
0xa9: {  	(tag) =	ssettag $0x2  }
0xaa: {  	s0 =	rddreg [dreg:$0x0];
	s2 =	stileid.u32  }
0xab: {  	s1 =	rddreg [dreg:$0x1];
	p0 =	sne.s32 s2, $0x0  }
0xac: {  	s3 =	rddreg [dreg:$0x2];
	[bflag:$0x3] =	sbarrier.arrive $0xFFFF;
	s2 =	simm.s32 @!p0 $0x1C01  }
0xad: {  	[timem:s3], [sflag:s2] =	dma.local @!p0 [hbm:s0], s1  }
0xae: {  	s0 =	simm.s32 @!p0 $0x1  }
0xaf: {  	_ =	swait.ge @!p0 [sflag:s0], s1  }
0xb0: {  	s1 =	ssub.s32 @!p0 $0x0, s1;
	[sflag:s0] =	ssyncset.done @!p0 $0x0  }
0xb1: {  	[sflag:s0] =	ssyncadd.s32 @!p0 s1  }
0xb2: {  	[bflag:$0x3] =	sbarrier.arrive $0xFFFF  }
0xb3: {  	_ =	shalt  }

</sc_bundles>
